<compile_context>
chip_gen: v7x
topology: tpu7x:2x2x1
jax: 0.10.2.dev20260603
libtpu: 0.0.44.dev20260713+nightly
codegen_flags: <defaults>
</compile_context>

<pallas_src>
import functools

import jax
import jax.numpy as jnp
from jax import lax
from jax.experimental import pallas as pl
from jax.experimental.pallas import tpu as pltpu
from jax.experimental.pallas import tpu_sc as plsc

NC = 2
NS = 16
NW = NC * NS


NBUF = 5
TBLK = 8192


def _tpose_block(tin_ref, out_ref):
    out_ref[:, 0:tin_ref.shape[0]] = tin_ref[...].T


def _transpose_pad(table_t, vocab, emb):
    return pl.pallas_call(
        _tpose_block,
        grid=(pl.cdiv(vocab, TBLK),),
        in_specs=[pl.BlockSpec((emb, TBLK), lambda i: (0, i))],
        out_specs=pl.BlockSpec((TBLK, 128), lambda i: (i, 0)),
        out_shape=jax.ShapeDtypeStruct((vocab, 128), jnp.float32),
    )(table_t)


@functools.partial(jax.jit, static_argnames=("batch", "seq", "emb"))
def _embedding_gather(idx_t, table, *, batch, seq, emb):
    ipw = batch // NW
    n_rounds = seq // NBUF

    mesh = plsc.VectorSubcoreMesh(core_axis_name="c", subcore_axis_name="s")

    @functools.partial(
        pl.kernel,
        mesh=mesh,
        compiler_params=pltpu.CompilerParams(use_tc_tiling_on_sc=False),
        out_type=jax.ShapeDtypeStruct((batch, seq, emb), jnp.float32),
        scratch_types=[
            pltpu.VMEM((seq, ipw), jnp.int32),
        ] + [pltpu.VMEM((ipw, 2 * emb), jnp.float32)] * NBUF
          + [pltpu.SemaphoreType.DMA] * (2 * NBUF),
    )
    def k(table_hbm, idxt_hbm, out_hbm, idx_v, *bufs_and_sems):
        bufs = bufs_and_sems[:NBUF]
        gsem = bufs_and_sems[NBUF:2 * NBUF]
        wsem = bufs_and_sems[2 * NBUF:]
        wid = lax.axis_index("s") * NC + lax.axis_index("c")
        samples = pl.ds(wid * ipw, ipw)
        pltpu.sync_copy(idxt_hbm.at[:, samples], idx_v)

        for b in range(NBUF):
            pltpu.async_copy(table_hbm.at[idx_v.at[b]], bufs[b], gsem[b])

        emb_half = pl.ds(0, emb)

        def body(p, _):
            s0 = p * NBUF
            for b in range(NBUF):
                pltpu.make_async_copy(
                    table_hbm.at[idx_v.at[s0 + b]], bufs[b], gsem[b]).wait()
                pltpu.async_copy(bufs[b].at[:, emb_half],
                                 out_hbm.at[samples, s0 + b], wsem[b])
            for b in range(NBUF):
                pltpu.make_async_copy(
                    bufs[b].at[:, emb_half],
                    out_hbm.at[samples, s0 + b], wsem[b]).wait()
                pltpu.async_copy(
                    table_hbm.at[idx_v.at[s0 + NBUF + b]], bufs[b], gsem[b])
            return _

        lax.fori_loop(0, n_rounds - 1, body, None)

        sl = seq - NBUF
        for b in range(NBUF):
            pltpu.make_async_copy(
                table_hbm.at[idx_v.at[sl + b]], bufs[b], gsem[b]).wait()
            pltpu.async_copy(bufs[b].at[:, emb_half],
                             out_hbm.at[samples, sl + b], wsem[b])
        for b in range(NBUF):
            pltpu.make_async_copy(
                bufs[b].at[:, emb_half],
                out_hbm.at[samples, sl + b], wsem[b]).wait()

    return k(table, idx_t)


def kernel(input_tensor, embedding_table):
    batch, seq = input_tensor.shape
    _, emb = embedding_table.shape
    idx_t = input_tensor.T.astype(jnp.int32)
    vocab = embedding_table.shape[0]
    table_p = _transpose_pad(embedding_table.T, vocab, emb)
    return _embedding_gather(idx_t, table_p,
                             batch=batch, seq=seq, emb=emb)

# --- scband reference (transcript-rebuilt; emitter-appended) ---
"""Pipeline reference for scband-word-embeddings-86388972191885 (READ-ONLY COPY).

The authoritative reference and input builder live on the scoring server;
editing this copy changes nothing except your own understanding.
"""

import jax, jax.numpy as jnp
import numpy as np

VOCAB = 1000000
EMB_DIM = 64
BATCH = 4096
SEQ = 50

def setup_inputs(seed: int = 0) -> dict:
    key = jax.random.key(seed)
    k_idx, k_tab = jax.random.split(key)
    input_tensor = jax.random.randint(k_idx, (BATCH, SEQ), 0, VOCAB, dtype=jnp.int64 if jax.config.jax_enable_x64 else jnp.int32)
    embedding_table = jax.random.normal(k_tab, (VOCAB, EMB_DIM), dtype=jnp.float32)
    return {"input_tensor": input_tensor, "embedding_table": embedding_table}

def reference(input_tensor, embedding_table):
    # torch.nn.Embedding lookup: table[idx]
    word_embeddings_feature = jnp.take(embedding_table, input_tensor, axis=0)
    return word_embeddings_feature

if __name__ == "__main__":
    import jax
    _d = setup_inputs()
    print(jax.jit(kernel)(*tuple(_d.values())))

</pallas_src>

<mosaic_0001>
#map = affine_map<(d0, d1) -> (0, 0)>
#map1 = affine_map<(d0, d1) -> (0, 0, 0)>
module attributes {stable_mosaic.version = 14 : i64} {
  func.func @k(%arg0: i32, %arg1: i32, %arg2: memref<1000000x128xf32, #tpu.memory_space<hbm>>, %arg3: memref<50x4096xi32, #tpu.memory_space<hbm>>, %arg4: memref<4096x50x64xf32, #tpu.memory_space<hbm>>, %arg5: memref<50x128xi32, #tpu.memory_space<vmem>>, %arg6: memref<128x128xf32, #tpu.memory_space<vmem>>, %arg7: memref<128x128xf32, #tpu.memory_space<vmem>>, %arg8: memref<128x128xf32, #tpu.memory_space<vmem>>, %arg9: memref<128x128xf32, #tpu.memory_space<vmem>>, %arg10: memref<128x128xf32, #tpu.memory_space<vmem>>, %arg11: memref<!tpu.dma_semaphore, #tpu.memory_space<semaphore_mem>>, %arg12: memref<!tpu.dma_semaphore, #tpu.memory_space<semaphore_mem>>, %arg13: memref<!tpu.dma_semaphore, #tpu.memory_space<semaphore_mem>>, %arg14: memref<!tpu.dma_semaphore, #tpu.memory_space<semaphore_mem>>, %arg15: memref<!tpu.dma_semaphore, #tpu.memory_space<semaphore_mem>>, %arg16: memref<!tpu.dma_semaphore, #tpu.memory_space<semaphore_mem>>, %arg17: memref<!tpu.dma_semaphore, #tpu.memory_space<semaphore_mem>>, %arg18: memref<!tpu.dma_semaphore, #tpu.memory_space<semaphore_mem>>, %arg19: memref<!tpu.dma_semaphore, #tpu.memory_space<semaphore_mem>>, %arg20: memref<!tpu.dma_semaphore, #tpu.memory_space<semaphore_mem>>) attributes {dimension_semantics = [#tpu.dimension_semantics<core_parallel>, #tpu.dimension_semantics<subcore_parallel>], iteration_bounds = array<i64: 2, 16>, scalar_prefetch = 0 : i64, scratch_operands = 16 : i64, tpu.core_type = #tpu.core_type<sc_vector_subcore>, window_params = [{transform_indices = #map}, {transform_indices = #map}, {transform_indices = #map1}]} {
    %mul3A = arith.constant 2 : i32
    %mul3A_0 = arith.muli %arg1, %mul3A : i32
    %add3A = arith.addi %mul3A_0, %arg0 : i32
    %mul3A_1 = arith.constant 128 : i32
    %mul3A_2 = arith.muli %add3A, %mul3A_1 : i32
    "tpu.region"() ({
      %run_scoped3A = tpu.sem_alloc : memref<!tpu.dma_semaphore, #tpu.memory_space<semaphore_mem>>
      %dma_start3A_205 = arith.constant 0 : i32
      %dma_start3A_206 = tpu.memref_slice %arg3[%dma_start3A_205, %mul3A_2] : memref<50x4096xi32, #tpu.memory_space<hbm>> -> memref<50x128xi32, #tpu.memory_space<hbm>>
      %dma_start3A_207 = arith.constant 0 : i32
      %dma_start3A_208 = tpu.memref_slice %arg3[%dma_start3A_207, %mul3A_2] : memref<50x4096xi32, #tpu.memory_space<hbm>> -> memref<50x128xi32, #tpu.memory_space<hbm>>
      tpu.enqueue_dma source(%dma_start3A_208 : memref<50x128xi32, #tpu.memory_space<hbm>>) target(%arg5 : memref<50x128xi32, #tpu.memory_space<vmem>>) target_semaphore(%run_scoped3A : memref<!tpu.dma_semaphore, #tpu.memory_space<semaphore_mem>>)
      %dma_wait3A_209 = arith.constant 0 : i32
      %dma_wait3A_210 = tpu.memref_slice %arg3[%dma_wait3A_209, %mul3A_2] : memref<50x4096xi32, #tpu.memory_space<hbm>> -> memref<50x128xi32, #tpu.memory_space<hbm>>
      %dma_wait3A_211 = arith.constant 0 : i32
      %dma_wait3A_212 = tpu.memref_slice %arg3[%dma_wait3A_211, %mul3A_2] : memref<50x4096xi32, #tpu.memory_space<hbm>> -> memref<50x128xi32, #tpu.memory_space<hbm>>
      tpu.wait_dma2 semaphore(%run_scoped3A : memref<!tpu.dma_semaphore, #tpu.memory_space<semaphore_mem>>) src(%dma_wait3A_212 : memref<50x128xi32, #tpu.memory_space<hbm>>) dst(%arg5 : memref<50x128xi32, #tpu.memory_space<vmem>>)
      tpu.yield
    }) : () -> ()
    %dma_start3A = arith.constant 0 : i32
    %dma_start3A_3 = arith.constant 0 : i32
    %dma_start3A_4 = tpu.memref_slice %arg5[%dma_start3A, %dma_start3A_3] : memref<50x128xi32, #tpu.memory_space<vmem>> -> memref<1x128xi32, #tpu.memory_space<vmem>>
    %dma_start3A_5 = tpu.memref_squeeze %dma_start3A_4 : memref<1x128xi32, #tpu.memory_space<vmem>> -> memref<128xi32, #tpu.memory_space<vmem>>
    %dma_start3A_6 = arith.constant 0 : i32
    %dma_start3A_7 = arith.constant 0 : i32
    %dma_start3A_8 = tpu.memref_slice %arg2[%dma_start3A_6, %dma_start3A_7] : memref<1000000x128xf32, #tpu.memory_space<hbm>> -> memref<1000000x128xf32, #tpu.memory_space<hbm>>
    tpu.enqueue_indirect_dma source(%dma_start3A_8 : memref<1000000x128xf32, #tpu.memory_space<hbm>>) target(%arg6 : memref<128x128xf32, #tpu.memory_space<vmem>>) offsets(%dma_start3A_5 : memref<128xi32, #tpu.memory_space<vmem>>) semaphore(%arg11 : memref<!tpu.dma_semaphore, #tpu.memory_space<semaphore_mem>>)
    %dma_start3A_9 = arith.constant 1 : i32
    %dma_start3A_10 = arith.constant 0 : i32
    %dma_start3A_11 = tpu.memref_slice %arg5[%dma_start3A_9, %dma_start3A_10] : memref<50x128xi32, #tpu.memory_space<vmem>> -> memref<1x128xi32, #tpu.memory_space<vmem>>
    %dma_start3A_12 = tpu.memref_squeeze %dma_start3A_11 : memref<1x128xi32, #tpu.memory_space<vmem>> -> memref<128xi32, #tpu.memory_space<vmem>>
    %dma_start3A_13 = arith.constant 0 : i32
    %dma_start3A_14 = arith.constant 0 : i32
    %dma_start3A_15 = tpu.memref_slice %arg2[%dma_start3A_13, %dma_start3A_14] : memref<1000000x128xf32, #tpu.memory_space<hbm>> -> memref<1000000x128xf32, #tpu.memory_space<hbm>>
    tpu.enqueue_indirect_dma source(%dma_start3A_15 : memref<1000000x128xf32, #tpu.memory_space<hbm>>) target(%arg7 : memref<128x128xf32, #tpu.memory_space<vmem>>) offsets(%dma_start3A_12 : memref<128xi32, #tpu.memory_space<vmem>>) semaphore(%arg12 : memref<!tpu.dma_semaphore, #tpu.memory_space<semaphore_mem>>)
    %dma_start3A_16 = arith.constant 2 : i32
    %dma_start3A_17 = arith.constant 0 : i32
    %dma_start3A_18 = tpu.memref_slice %arg5[%dma_start3A_16, %dma_start3A_17] : memref<50x128xi32, #tpu.memory_space<vmem>> -> memref<1x128xi32, #tpu.memory_space<vmem>>
    %dma_start3A_19 = tpu.memref_squeeze %dma_start3A_18 : memref<1x128xi32, #tpu.memory_space<vmem>> -> memref<128xi32, #tpu.memory_space<vmem>>
    %dma_start3A_20 = arith.constant 0 : i32
    %dma_start3A_21 = arith.constant 0 : i32
    %dma_start3A_22 = tpu.memref_slice %arg2[%dma_start3A_20, %dma_start3A_21] : memref<1000000x128xf32, #tpu.memory_space<hbm>> -> memref<1000000x128xf32, #tpu.memory_space<hbm>>
    tpu.enqueue_indirect_dma source(%dma_start3A_22 : memref<1000000x128xf32, #tpu.memory_space<hbm>>) target(%arg8 : memref<128x128xf32, #tpu.memory_space<vmem>>) offsets(%dma_start3A_19 : memref<128xi32, #tpu.memory_space<vmem>>) semaphore(%arg13 : memref<!tpu.dma_semaphore, #tpu.memory_space<semaphore_mem>>)
    %dma_start3A_23 = arith.constant 3 : i32
    %dma_start3A_24 = arith.constant 0 : i32
    %dma_start3A_25 = tpu.memref_slice %arg5[%dma_start3A_23, %dma_start3A_24] : memref<50x128xi32, #tpu.memory_space<vmem>> -> memref<1x128xi32, #tpu.memory_space<vmem>>
    %dma_start3A_26 = tpu.memref_squeeze %dma_start3A_25 : memref<1x128xi32, #tpu.memory_space<vmem>> -> memref<128xi32, #tpu.memory_space<vmem>>
    %dma_start3A_27 = arith.constant 0 : i32
    %dma_start3A_28 = arith.constant 0 : i32
    %dma_start3A_29 = tpu.memref_slice %arg2[%dma_start3A_27, %dma_start3A_28] : memref<1000000x128xf32, #tpu.memory_space<hbm>> -> memref<1000000x128xf32, #tpu.memory_space<hbm>>
    tpu.enqueue_indirect_dma source(%dma_start3A_29 : memref<1000000x128xf32, #tpu.memory_space<hbm>>) target(%arg9 : memref<128x128xf32, #tpu.memory_space<vmem>>) offsets(%dma_start3A_26 : memref<128xi32, #tpu.memory_space<vmem>>) semaphore(%arg14 : memref<!tpu.dma_semaphore, #tpu.memory_space<semaphore_mem>>)
    %dma_start3A_30 = arith.constant 4 : i32
    %dma_start3A_31 = arith.constant 0 : i32
    %dma_start3A_32 = tpu.memref_slice %arg5[%dma_start3A_30, %dma_start3A_31] : memref<50x128xi32, #tpu.memory_space<vmem>> -> memref<1x128xi32, #tpu.memory_space<vmem>>
    %dma_start3A_33 = tpu.memref_squeeze %dma_start3A_32 : memref<1x128xi32, #tpu.memory_space<vmem>> -> memref<128xi32, #tpu.memory_space<vmem>>
    %dma_start3A_34 = arith.constant 0 : i32
    %dma_start3A_35 = arith.constant 0 : i32
    %dma_start3A_36 = tpu.memref_slice %arg2[%dma_start3A_34, %dma_start3A_35] : memref<1000000x128xf32, #tpu.memory_space<hbm>> -> memref<1000000x128xf32, #tpu.memory_space<hbm>>
    tpu.enqueue_indirect_dma source(%dma_start3A_36 : memref<1000000x128xf32, #tpu.memory_space<hbm>>) target(%arg10 : memref<128x128xf32, #tpu.memory_space<vmem>>) offsets(%dma_start3A_33 : memref<128xi32, #tpu.memory_space<vmem>>) semaphore(%arg15 : memref<!tpu.dma_semaphore, #tpu.memory_space<semaphore_mem>>)
    %scan3A = arith.constant 0 : i32
    %scan3A_37 = arith.constant 9 : i32
    %scan3A_38 = arith.addi %scan3A, %scan3A_37 : i32
    %scan3A_39 = arith.constant 1 : i32
    scf.for %scan3A_205 = %scan3A to %scan3A_38 step %scan3A_39  : i32 {
      %mul3A_206 = arith.constant 5 : i32
      %mul3A_207 = arith.muli %scan3A_205, %mul3A_206 : i32
      %add3A_208 = arith.constant 0 : i32
      %add3A_209 = arith.addi %mul3A_207, %add3A_208 : i32
      %dma_wait3A_210 = arith.constant 0 : i32
      %dma_wait3A_211 = tpu.memref_slice %arg5[%add3A_209, %dma_wait3A_210] : memref<50x128xi32, #tpu.memory_space<vmem>> -> memref<1x128xi32, #tpu.memory_space<vmem>>
      %dma_wait3A_212 = tpu.memref_squeeze %dma_wait3A_211 : memref<1x128xi32, #tpu.memory_space<vmem>> -> memref<128xi32, #tpu.memory_space<vmem>>
      %dma_wait3A_213 = arith.constant 0 : i32
      %dma_wait3A_214 = arith.constant 0 : i32
      %dma_wait3A_215 = tpu.memref_slice %arg2[%dma_wait3A_213, %dma_wait3A_214] : memref<1000000x128xf32, #tpu.memory_space<hbm>> -> memref<1000000x128xf32, #tpu.memory_space<hbm>>
      tpu.wait_indirect_dma semaphore(%arg11 : memref<!tpu.dma_semaphore, #tpu.memory_space<semaphore_mem>>) src(%dma_wait3A_215 : memref<1000000x128xf32, #tpu.memory_space<hbm>>) dst(%arg6 : memref<128x128xf32, #tpu.memory_space<vmem>>)
      %add3A_216 = arith.constant 0 : i32
      %add3A_217 = arith.addi %mul3A_207, %add3A_216 : i32
      %dma_start3A_218 = arith.constant 0 : i32
      %dma_start3A_219 = arith.constant 0 : i32
      %dma_start3A_220 = tpu.memref_slice %arg6[%dma_start3A_218, %dma_start3A_219] : memref<128x128xf32, #tpu.memory_space<vmem>> -> memref<128x64xf32, #tpu.memory_space<vmem>>
      %dma_start3A_221 = arith.constant 0 : i32
      %dma_start3A_222 = tpu.memref_slice %arg4[%mul3A_2, %add3A_217, %dma_start3A_221] : memref<4096x50x64xf32, #tpu.memory_space<hbm>> -> memref<128x1x64xf32, #tpu.memory_space<hbm>>
      %dma_start3A_223 = tpu.memref_squeeze %dma_start3A_222 : memref<128x1x64xf32, #tpu.memory_space<hbm>> -> memref<128x64xf32, #tpu.memory_space<hbm>>
      %dma_start3A_224 = arith.constant 0 : i32
      %dma_start3A_225 = tpu.memref_slice %arg4[%mul3A_2, %add3A_217, %dma_start3A_224] : memref<4096x50x64xf32, #tpu.memory_space<hbm>> -> memref<128x1x64xf32, #tpu.memory_space<hbm>>
      %dma_start3A_226 = tpu.memref_squeeze %dma_start3A_225 : memref<128x1x64xf32, #tpu.memory_space<hbm>> -> memref<128x64xf32, #tpu.memory_space<hbm>>
      %dma_start3A_227 = arith.constant 0 : i32
      %dma_start3A_228 = arith.constant 0 : i32
      %dma_start3A_229 = tpu.memref_slice %arg6[%dma_start3A_227, %dma_start3A_228] : memref<128x128xf32, #tpu.memory_space<vmem>> -> memref<128x64xf32, #tpu.memory_space<vmem>>
      tpu.enqueue_dma source(%dma_start3A_229 : memref<128x64xf32, #tpu.memory_space<vmem>>) target(%dma_start3A_226 : memref<128x64xf32, #tpu.memory_space<hbm>>) target_semaphore(%arg16 : memref<!tpu.dma_semaphore, #tpu.memory_space<semaphore_mem>>)
      %add3A_230 = arith.constant 1 : i32
      %add3A_231 = arith.addi %mul3A_207, %add3A_230 : i32
      %dma_wait3A_232 = arith.constant 0 : i32
      %dma_wait3A_233 = tpu.memref_slice %arg5[%add3A_231, %dma_wait3A_232] : memref<50x128xi32, #tpu.memory_space<vmem>> -> memref<1x128xi32, #tpu.memory_space<vmem>>
      %dma_wait3A_234 = tpu.memref_squeeze %dma_wait3A_233 : memref<1x128xi32, #tpu.memory_space<vmem>> -> memref<128xi32, #tpu.memory_space<vmem>>
      %dma_wait3A_235 = arith.constant 0 : i32
      %dma_wait3A_236 = arith.constant 0 : i32
      %dma_wait3A_237 = tpu.memref_slice %arg2[%dma_wait3A_235, %dma_wait3A_236] : memref<1000000x128xf32, #tpu.memory_space<hbm>> -> memref<1000000x128xf32, #tpu.memory_space<hbm>>
      tpu.wait_indirect_dma semaphore(%arg12 : memref<!tpu.dma_semaphore, #tpu.memory_space<semaphore_mem>>) src(%dma_wait3A_237 : memref<1000000x128xf32, #tpu.memory_space<hbm>>) dst(%arg7 : memref<128x128xf32, #tpu.memory_space<vmem>>)
      %add3A_238 = arith.constant 1 : i32
      %add3A_239 = arith.addi %mul3A_207, %add3A_238 : i32
      %dma_start3A_240 = arith.constant 0 : i32
      %dma_start3A_241 = arith.constant 0 : i32
      %dma_start3A_242 = tpu.memref_slice %arg7[%dma_start3A_240, %dma_start3A_241] : memref<128x128xf32, #tpu.memory_space<vmem>> -> memref<128x64xf32, #tpu.memory_space<vmem>>
      %dma_start3A_243 = arith.constant 0 : i32
      %dma_start3A_244 = tpu.memref_slice %arg4[%mul3A_2, %add3A_239, %dma_start3A_243] : memref<4096x50x64xf32, #tpu.memory_space<hbm>> -> memref<128x1x64xf32, #tpu.memory_space<hbm>>
      %dma_start3A_245 = tpu.memref_squeeze %dma_start3A_244 : memref<128x1x64xf32, #tpu.memory_space<hbm>> -> memref<128x64xf32, #tpu.memory_space<hbm>>
      %dma_start3A_246 = arith.constant 0 : i32
      %dma_start3A_247 = tpu.memref_slice %arg4[%mul3A_2, %add3A_239, %dma_start3A_246] : memref<4096x50x64xf32, #tpu.memory_space<hbm>> -> memref<128x1x64xf32, #tpu.memory_space<hbm>>
      %dma_start3A_248 = tpu.memref_squeeze %dma_start3A_247 : memref<128x1x64xf32, #tpu.memory_space<hbm>> -> memref<128x64xf32, #tpu.memory_space<hbm>>
      %dma_start3A_249 = arith.constant 0 : i32
      %dma_start3A_250 = arith.constant 0 : i32
      %dma_start3A_251 = tpu.memref_slice %arg7[%dma_start3A_249, %dma_start3A_250] : memref<128x128xf32, #tpu.memory_space<vmem>> -> memref<128x64xf32, #tpu.memory_space<vmem>>
      tpu.enqueue_dma source(%dma_start3A_251 : memref<128x64xf32, #tpu.memory_space<vmem>>) target(%dma_start3A_248 : memref<128x64xf32, #tpu.memory_space<hbm>>) target_semaphore(%arg17 : memref<!tpu.dma_semaphore, #tpu.memory_space<semaphore_mem>>)
      %add3A_252 = arith.constant 2 : i32
      %add3A_253 = arith.addi %mul3A_207, %add3A_252 : i32
      %dma_wait3A_254 = arith.constant 0 : i32
      %dma_wait3A_255 = tpu.memref_slice %arg5[%add3A_253, %dma_wait3A_254] : memref<50x128xi32, #tpu.memory_space<vmem>> -> memref<1x128xi32, #tpu.memory_space<vmem>>
      %dma_wait3A_256 = tpu.memref_squeeze %dma_wait3A_255 : memref<1x128xi32, #tpu.memory_space<vmem>> -> memref<128xi32, #tpu.memory_space<vmem>>
      %dma_wait3A_257 = arith.constant 0 : i32
      %dma_wait3A_258 = arith.constant 0 : i32
      %dma_wait3A_259 = tpu.memref_slice %arg2[%dma_wait3A_257, %dma_wait3A_258] : memref<1000000x128xf32, #tpu.memory_space<hbm>> -> memref<1000000x128xf32, #tpu.memory_space<hbm>>
      tpu.wait_indirect_dma semaphore(%arg13 : memref<!tpu.dma_semaphore, #tpu.memory_space<semaphore_mem>>) src(%dma_wait3A_259 : memref<1000000x128xf32, #tpu.memory_space<hbm>>) dst(%arg8 : memref<128x128xf32, #tpu.memory_space<vmem>>)
      %add3A_260 = arith.constant 2 : i32
      %add3A_261 = arith.addi %mul3A_207, %add3A_260 : i32
      %dma_start3A_262 = arith.constant 0 : i32
      %dma_start3A_263 = arith.constant 0 : i32
      %dma_start3A_264 = tpu.memref_slice %arg8[%dma_start3A_262, %dma_start3A_263] : memref<128x128xf32, #tpu.memory_space<vmem>> -> memref<128x64xf32, #tpu.memory_space<vmem>>
      %dma_start3A_265 = arith.constant 0 : i32
      %dma_start3A_266 = tpu.memref_slice %arg4[%mul3A_2, %add3A_261, %dma_start3A_265] : memref<4096x50x64xf32, #tpu.memory_space<hbm>> -> memref<128x1x64xf32, #tpu.memory_space<hbm>>
      %dma_start3A_267 = tpu.memref_squeeze %dma_start3A_266 : memref<128x1x64xf32, #tpu.memory_space<hbm>> -> memref<128x64xf32, #tpu.memory_space<hbm>>
      %dma_start3A_268 = arith.constant 0 : i32
      %dma_start3A_269 = tpu.memref_slice %arg4[%mul3A_2, %add3A_261, %dma_start3A_268] : memref<4096x50x64xf32, #tpu.memory_space<hbm>> -> memref<128x1x64xf32, #tpu.memory_space<hbm>>
      %dma_start3A_270 = tpu.memref_squeeze %dma_start3A_269 : memref<128x1x64xf32, #tpu.memory_space<hbm>> -> memref<128x64xf32, #tpu.memory_space<hbm>>
      %dma_start3A_271 = arith.constant 0 : i32
      %dma_start3A_272 = arith.constant 0 : i32
      %dma_start3A_273 = tpu.memref_slice %arg8[%dma_start3A_271, %dma_start3A_272] : memref<128x128xf32, #tpu.memory_space<vmem>> -> memref<128x64xf32, #tpu.memory_space<vmem>>
      tpu.enqueue_dma source(%dma_start3A_273 : memref<128x64xf32, #tpu.memory_space<vmem>>) target(%dma_start3A_270 : memref<128x64xf32, #tpu.memory_space<hbm>>) target_semaphore(%arg18 : memref<!tpu.dma_semaphore, #tpu.memory_space<semaphore_mem>>)
      %add3A_274 = arith.constant 3 : i32
      %add3A_275 = arith.addi %mul3A_207, %add3A_274 : i32
      %dma_wait3A_276 = arith.constant 0 : i32
      %dma_wait3A_277 = tpu.memref_slice %arg5[%add3A_275, %dma_wait3A_276] : memref<50x128xi32, #tpu.memory_space<vmem>> -> memref<1x128xi32, #tpu.memory_space<vmem>>
      %dma_wait3A_278 = tpu.memref_squeeze %dma_wait3A_277 : memref<1x128xi32, #tpu.memory_space<vmem>> -> memref<128xi32, #tpu.memory_space<vmem>>
      %dma_wait3A_279 = arith.constant 0 : i32
      %dma_wait3A_280 = arith.constant 0 : i32
      %dma_wait3A_281 = tpu.memref_slice %arg2[%dma_wait3A_279, %dma_wait3A_280] : memref<1000000x128xf32, #tpu.memory_space<hbm>> -> memref<1000000x128xf32, #tpu.memory_space<hbm>>
      tpu.wait_indirect_dma semaphore(%arg14 : memref<!tpu.dma_semaphore, #tpu.memory_space<semaphore_mem>>) src(%dma_wait3A_281 : memref<1000000x128xf32, #tpu.memory_space<hbm>>) dst(%arg9 : memref<128x128xf32, #tpu.memory_space<vmem>>)
      %add3A_282 = arith.constant 3 : i32
      %add3A_283 = arith.addi %mul3A_207, %add3A_282 : i32
      %dma_start3A_284 = arith.constant 0 : i32
      %dma_start3A_285 = arith.constant 0 : i32
      %dma_start3A_286 = tpu.memref_slice %arg9[%dma_start3A_284, %dma_start3A_285] : memref<128x128xf32, #tpu.memory_space<vmem>> -> memref<128x64xf32, #tpu.memory_space<vmem>>
      %dma_start3A_287 = arith.constant 0 : i32
      %dma_start3A_288 = tpu.memref_slice %arg4[%mul3A_2, %add3A_283, %dma_start3A_287] : memref<4096x50x64xf32, #tpu.memory_space<hbm>> -> memref<128x1x64xf32, #tpu.memory_space<hbm>>
      %dma_start3A_289 = tpu.memref_squeeze %dma_start3A_288 : memref<128x1x64xf32, #tpu.memory_space<hbm>> -> memref<128x64xf32, #tpu.memory_space<hbm>>
      %dma_start3A_290 = arith.constant 0 : i32
      %dma_start3A_291 = tpu.memref_slice %arg4[%mul3A_2, %add3A_283, %dma_start3A_290] : memref<4096x50x64xf32, #tpu.memory_space<hbm>> -> memref<128x1x64xf32, #tpu.memory_space<hbm>>
      %dma_start3A_292 = tpu.memref_squeeze %dma_start3A_291 : memref<128x1x64xf32, #tpu.memory_space<hbm>> -> memref<128x64xf32, #tpu.memory_space<hbm>>
      %dma_start3A_293 = arith.constant 0 : i32
      %dma_start3A_294 = arith.constant 0 : i32
      %dma_start3A_295 = tpu.memref_slice %arg9[%dma_start3A_293, %dma_start3A_294] : memref<128x128xf32, #tpu.memory_space<vmem>> -> memref<128x64xf32, #tpu.memory_space<vmem>>
      tpu.enqueue_dma source(%dma_start3A_295 : memref<128x64xf32, #tpu.memory_space<vmem>>) target(%dma_start3A_292 : memref<128x64xf32, #tpu.memory_space<hbm>>) target_semaphore(%arg19 : memref<!tpu.dma_semaphore, #tpu.memory_space<semaphore_mem>>)
      %add3A_296 = arith.constant 4 : i32
      %add3A_297 = arith.addi %mul3A_207, %add3A_296 : i32
      %dma_wait3A_298 = arith.constant 0 : i32
      %dma_wait3A_299 = tpu.memref_slice %arg5[%add3A_297, %dma_wait3A_298] : memref<50x128xi32, #tpu.memory_space<vmem>> -> memref<1x128xi32, #tpu.memory_space<vmem>>
      %dma_wait3A_300 = tpu.memref_squeeze %dma_wait3A_299 : memref<1x128xi32, #tpu.memory_space<vmem>> -> memref<128xi32, #tpu.memory_space<vmem>>
      %dma_wait3A_301 = arith.constant 0 : i32
      %dma_wait3A_302 = arith.constant 0 : i32
      %dma_wait3A_303 = tpu.memref_slice %arg2[%dma_wait3A_301, %dma_wait3A_302] : memref<1000000x128xf32, #tpu.memory_space<hbm>> -> memref<1000000x128xf32, #tpu.memory_space<hbm>>
      tpu.wait_indirect_dma semaphore(%arg15 : memref<!tpu.dma_semaphore, #tpu.memory_space<semaphore_mem>>) src(%dma_wait3A_303 : memref<1000000x128xf32, #tpu.memory_space<hbm>>) dst(%arg10 : memref<128x128xf32, #tpu.memory_space<vmem>>)
      %add3A_304 = arith.constant 4 : i32
      %add3A_305 = arith.addi %mul3A_207, %add3A_304 : i32
      %dma_start3A_306 = arith.constant 0 : i32
      %dma_start3A_307 = arith.constant 0 : i32
      %dma_start3A_308 = tpu.memref_slice %arg10[%dma_start3A_306, %dma_start3A_307] : memref<128x128xf32, #tpu.memory_space<vmem>> -> memref<128x64xf32, #tpu.memory_space<vmem>>
      %dma_start3A_309 = arith.constant 0 : i32
      %dma_start3A_310 = tpu.memref_slice %arg4[%mul3A_2, %add3A_305, %dma_start3A_309] : memref<4096x50x64xf32, #tpu.memory_space<hbm>> -> memref<128x1x64xf32, #tpu.memory_space<hbm>>
      %dma_start3A_311 = tpu.memref_squeeze %dma_start3A_310 : memref<128x1x64xf32, #tpu.memory_space<hbm>> -> memref<128x64xf32, #tpu.memory_space<hbm>>
      %dma_start3A_312 = arith.constant 0 : i32
      %dma_start3A_313 = tpu.memref_slice %arg4[%mul3A_2, %add3A_305, %dma_start3A_312] : memref<4096x50x64xf32, #tpu.memory_space<hbm>> -> memref<128x1x64xf32, #tpu.memory_space<hbm>>
      %dma_start3A_314 = tpu.memref_squeeze %dma_start3A_313 : memref<128x1x64xf32, #tpu.memory_space<hbm>> -> memref<128x64xf32, #tpu.memory_space<hbm>>
      %dma_start3A_315 = arith.constant 0 : i32
      %dma_start3A_316 = arith.constant 0 : i32
      %dma_start3A_317 = tpu.memref_slice %arg10[%dma_start3A_315, %dma_start3A_316] : memref<128x128xf32, #tpu.memory_space<vmem>> -> memref<128x64xf32, #tpu.memory_space<vmem>>
      tpu.enqueue_dma source(%dma_start3A_317 : memref<128x64xf32, #tpu.memory_space<vmem>>) target(%dma_start3A_314 : memref<128x64xf32, #tpu.memory_space<hbm>>) target_semaphore(%arg20 : memref<!tpu.dma_semaphore, #tpu.memory_space<semaphore_mem>>)
      %add3A_318 = arith.constant 0 : i32
      %add3A_319 = arith.addi %mul3A_207, %add3A_318 : i32
      %dma_wait3A_320 = arith.constant 0 : i32
      %dma_wait3A_321 = arith.constant 0 : i32
      %dma_wait3A_322 = tpu.memref_slice %arg6[%dma_wait3A_320, %dma_wait3A_321] : memref<128x128xf32, #tpu.memory_space<vmem>> -> memref<128x64xf32, #tpu.memory_space<vmem>>
      %dma_wait3A_323 = arith.constant 0 : i32
      %dma_wait3A_324 = tpu.memref_slice %arg4[%mul3A_2, %add3A_319, %dma_wait3A_323] : memref<4096x50x64xf32, #tpu.memory_space<hbm>> -> memref<128x1x64xf32, #tpu.memory_space<hbm>>
      %dma_wait3A_325 = tpu.memref_squeeze %dma_wait3A_324 : memref<128x1x64xf32, #tpu.memory_space<hbm>> -> memref<128x64xf32, #tpu.memory_space<hbm>>
      %dma_wait3A_326 = arith.constant 0 : i32
      %dma_wait3A_327 = tpu.memref_slice %arg4[%mul3A_2, %add3A_319, %dma_wait3A_326] : memref<4096x50x64xf32, #tpu.memory_space<hbm>> -> memref<128x1x64xf32, #tpu.memory_space<hbm>>
      %dma_wait3A_328 = tpu.memref_squeeze %dma_wait3A_327 : memref<128x1x64xf32, #tpu.memory_space<hbm>> -> memref<128x64xf32, #tpu.memory_space<hbm>>
      %dma_wait3A_329 = arith.constant 0 : i32
      %dma_wait3A_330 = arith.constant 0 : i32
      %dma_wait3A_331 = tpu.memref_slice %arg6[%dma_wait3A_329, %dma_wait3A_330] : memref<128x128xf32, #tpu.memory_space<vmem>> -> memref<128x64xf32, #tpu.memory_space<vmem>>
      tpu.wait_dma2 semaphore(%arg16 : memref<!tpu.dma_semaphore, #tpu.memory_space<semaphore_mem>>) src(%dma_wait3A_331 : memref<128x64xf32, #tpu.memory_space<vmem>>) dst(%dma_wait3A_328 : memref<128x64xf32, #tpu.memory_space<hbm>>)
      %add3A_332 = arith.constant 5 : i32
      %add3A_333 = arith.addi %mul3A_207, %add3A_332 : i32
      %add3A_334 = arith.constant 0 : i32
      %add3A_335 = arith.addi %add3A_333, %add3A_334 : i32
      %dma_start3A_336 = arith.constant 0 : i32
      %dma_start3A_337 = tpu.memref_slice %arg5[%add3A_335, %dma_start3A_336] : memref<50x128xi32, #tpu.memory_space<vmem>> -> memref<1x128xi32, #tpu.memory_space<vmem>>
      %dma_start3A_338 = tpu.memref_squeeze %dma_start3A_337 : memref<1x128xi32, #tpu.memory_space<vmem>> -> memref<128xi32, #tpu.memory_space<vmem>>
      %dma_start3A_339 = arith.constant 0 : i32
      %dma_start3A_340 = arith.constant 0 : i32
      %dma_start3A_341 = tpu.memref_slice %arg2[%dma_start3A_339, %dma_start3A_340] : memref<1000000x128xf32, #tpu.memory_space<hbm>> -> memref<1000000x128xf32, #tpu.memory_space<hbm>>
      tpu.enqueue_indirect_dma source(%dma_start3A_341 : memref<1000000x128xf32, #tpu.memory_space<hbm>>) target(%arg6 : memref<128x128xf32, #tpu.memory_space<vmem>>) offsets(%dma_start3A_338 : memref<128xi32, #tpu.memory_space<vmem>>) semaphore(%arg11 : memref<!tpu.dma_semaphore, #tpu.memory_space<semaphore_mem>>)
      %add3A_342 = arith.constant 1 : i32
      %add3A_343 = arith.addi %mul3A_207, %add3A_342 : i32
      %dma_wait3A_344 = arith.constant 0 : i32
      %dma_wait3A_345 = arith.constant 0 : i32
      %dma_wait3A_346 = tpu.memref_slice %arg7[%dma_wait3A_344, %dma_wait3A_345] : memref<128x128xf32, #tpu.memory_space<vmem>> -> memref<128x64xf32, #tpu.memory_space<vmem>>
      %dma_wait3A_347 = arith.constant 0 : i32
      %dma_wait3A_348 = tpu.memref_slice %arg4[%mul3A_2, %add3A_343, %dma_wait3A_347] : memref<4096x50x64xf32, #tpu.memory_space<hbm>> -> memref<128x1x64xf32, #tpu.memory_space<hbm>>
      %dma_wait3A_349 = tpu.memref_squeeze %dma_wait3A_348 : memref<128x1x64xf32, #tpu.memory_space<hbm>> -> memref<128x64xf32, #tpu.memory_space<hbm>>
      %dma_wait3A_350 = arith.constant 0 : i32
      %dma_wait3A_351 = tpu.memref_slice %arg4[%mul3A_2, %add3A_343, %dma_wait3A_350] : memref<4096x50x64xf32, #tpu.memory_space<hbm>> -> memref<128x1x64xf32, #tpu.memory_space<hbm>>
      %dma_wait3A_352 = tpu.memref_squeeze %dma_wait3A_351 : memref<128x1x64xf32, #tpu.memory_space<hbm>> -> memref<128x64xf32, #tpu.memory_space<hbm>>
      %dma_wait3A_353 = arith.constant 0 : i32
      %dma_wait3A_354 = arith.constant 0 : i32
      %dma_wait3A_355 = tpu.memref_slice %arg7[%dma_wait3A_353, %dma_wait3A_354] : memref<128x128xf32, #tpu.memory_space<vmem>> -> memref<128x64xf32, #tpu.memory_space<vmem>>
      tpu.wait_dma2 semaphore(%arg17 : memref<!tpu.dma_semaphore, #tpu.memory_space<semaphore_mem>>) src(%dma_wait3A_355 : memref<128x64xf32, #tpu.memory_space<vmem>>) dst(%dma_wait3A_352 : memref<128x64xf32, #tpu.memory_space<hbm>>)
      %add3A_356 = arith.constant 5 : i32
      %add3A_357 = arith.addi %mul3A_207, %add3A_356 : i32
      %add3A_358 = arith.constant 1 : i32
      %add3A_359 = arith.addi %add3A_357, %add3A_358 : i32
      %dma_start3A_360 = arith.constant 0 : i32
      %dma_start3A_361 = tpu.memref_slice %arg5[%add3A_359, %dma_start3A_360] : memref<50x128xi32, #tpu.memory_space<vmem>> -> memref<1x128xi32, #tpu.memory_space<vmem>>
      %dma_start3A_362 = tpu.memref_squeeze %dma_start3A_361 : memref<1x128xi32, #tpu.memory_space<vmem>> -> memref<128xi32, #tpu.memory_space<vmem>>
      %dma_start3A_363 = arith.constant 0 : i32
      %dma_start3A_364 = arith.constant 0 : i32
      %dma_start3A_365 = tpu.memref_slice %arg2[%dma_start3A_363, %dma_start3A_364] : memref<1000000x128xf32, #tpu.memory_space<hbm>> -> memref<1000000x128xf32, #tpu.memory_space<hbm>>
      tpu.enqueue_indirect_dma source(%dma_start3A_365 : memref<1000000x128xf32, #tpu.memory_space<hbm>>) target(%arg7 : memref<128x128xf32, #tpu.memory_space<vmem>>) offsets(%dma_start3A_362 : memref<128xi32, #tpu.memory_space<vmem>>) semaphore(%arg12 : memref<!tpu.dma_semaphore, #tpu.memory_space<semaphore_mem>>)
      %add3A_366 = arith.constant 2 : i32
      %add3A_367 = arith.addi %mul3A_207, %add3A_366 : i32
      %dma_wait3A_368 = arith.constant 0 : i32
      %dma_wait3A_369 = arith.constant 0 : i32
      %dma_wait3A_370 = tpu.memref_slice %arg8[%dma_wait3A_368, %dma_wait3A_369] : memref<128x128xf32, #tpu.memory_space<vmem>> -> memref<128x64xf32, #tpu.memory_space<vmem>>
      %dma_wait3A_371 = arith.constant 0 : i32
      %dma_wait3A_372 = tpu.memref_slice %arg4[%mul3A_2, %add3A_367, %dma_wait3A_371] : memref<4096x50x64xf32, #tpu.memory_space<hbm>> -> memref<128x1x64xf32, #tpu.memory_space<hbm>>
      %dma_wait3A_373 = tpu.memref_squeeze %dma_wait3A_372 : memref<128x1x64xf32, #tpu.memory_space<hbm>> -> memref<128x64xf32, #tpu.memory_space<hbm>>
      %dma_wait3A_374 = arith.constant 0 : i32
      %dma_wait3A_375 = tpu.memref_slice %arg4[%mul3A_2, %add3A_367, %dma_wait3A_374] : memref<4096x50x64xf32, #tpu.memory_space<hbm>> -> memref<128x1x64xf32, #tpu.memory_space<hbm>>
      %dma_wait3A_376 = tpu.memref_squeeze %dma_wait3A_375 : memref<128x1x64xf32, #tpu.memory_space<hbm>> -> memref<128x64xf32, #tpu.memory_space<hbm>>
      %dma_wait3A_377 = arith.constant 0 : i32
      %dma_wait3A_378 = arith.constant 0 : i32
      %dma_wait3A_379 = tpu.memref_slice %arg8[%dma_wait3A_377, %dma_wait3A_378] : memref<128x128xf32, #tpu.memory_space<vmem>> -> memref<128x64xf32, #tpu.memory_space<vmem>>
      tpu.wait_dma2 semaphore(%arg18 : memref<!tpu.dma_semaphore, #tpu.memory_space<semaphore_mem>>) src(%dma_wait3A_379 : memref<128x64xf32, #tpu.memory_space<vmem>>) dst(%dma_wait3A_376 : memref<128x64xf32, #tpu.memory_space<hbm>>)
      %add3A_380 = arith.constant 5 : i32
      %add3A_381 = arith.addi %mul3A_207, %add3A_380 : i32
      %add3A_382 = arith.constant 2 : i32
      %add3A_383 = arith.addi %add3A_381, %add3A_382 : i32
      %dma_start3A_384 = arith.constant 0 : i32
      %dma_start3A_385 = tpu.memref_slice %arg5[%add3A_383, %dma_start3A_384] : memref<50x128xi32, #tpu.memory_space<vmem>> -> memref<1x128xi32, #tpu.memory_space<vmem>>
      %dma_start3A_386 = tpu.memref_squeeze %dma_start3A_385 : memref<1x128xi32, #tpu.memory_space<vmem>> -> memref<128xi32, #tpu.memory_space<vmem>>
      %dma_start3A_387 = arith.constant 0 : i32
      %dma_start3A_388 = arith.constant 0 : i32
      %dma_start3A_389 = tpu.memref_slice %arg2[%dma_start3A_387, %dma_start3A_388] : memref<1000000x128xf32, #tpu.memory_space<hbm>> -> memref<1000000x128xf32, #tpu.memory_space<hbm>>
      tpu.enqueue_indirect_dma source(%dma_start3A_389 : memref<1000000x128xf32, #tpu.memory_space<hbm>>) target(%arg8 : memref<128x128xf32, #tpu.memory_space<vmem>>) offsets(%dma_start3A_386 : memref<128xi32, #tpu.memory_space<vmem>>) semaphore(%arg13 : memref<!tpu.dma_semaphore, #tpu.memory_space<semaphore_mem>>)
      %add3A_390 = arith.constant 3 : i32
      %add3A_391 = arith.addi %mul3A_207, %add3A_390 : i32
      %dma_wait3A_392 = arith.constant 0 : i32
      %dma_wait3A_393 = arith.constant 0 : i32
      %dma_wait3A_394 = tpu.memref_slice %arg9[%dma_wait3A_392, %dma_wait3A_393] : memref<128x128xf32, #tpu.memory_space<vmem>> -> memref<128x64xf32, #tpu.memory_space<vmem>>
      %dma_wait3A_395 = arith.constant 0 : i32
      %dma_wait3A_396 = tpu.memref_slice %arg4[%mul3A_2, %add3A_391, %dma_wait3A_395] : memref<4096x50x64xf32, #tpu.memory_space<hbm>> -> memref<128x1x64xf32, #tpu.memory_space<hbm>>
      %dma_wait3A_397 = tpu.memref_squeeze %dma_wait3A_396 : memref<128x1x64xf32, #tpu.memory_space<hbm>> -> memref<128x64xf32, #tpu.memory_space<hbm>>
      %dma_wait3A_398 = arith.constant 0 : i32
      %dma_wait3A_399 = tpu.memref_slice %arg4[%mul3A_2, %add3A_391, %dma_wait3A_398] : memref<4096x50x64xf32, #tpu.memory_space<hbm>> -> memref<128x1x64xf32, #tpu.memory_space<hbm>>
      %dma_wait3A_400 = tpu.memref_squeeze %dma_wait3A_399 : memref<128x1x64xf32, #tpu.memory_space<hbm>> -> memref<128x64xf32, #tpu.memory_space<hbm>>
      %dma_wait3A_401 = arith.constant 0 : i32
      %dma_wait3A_402 = arith.constant 0 : i32
      %dma_wait3A_403 = tpu.memref_slice %arg9[%dma_wait3A_401, %dma_wait3A_402] : memref<128x128xf32, #tpu.memory_space<vmem>> -> memref<128x64xf32, #tpu.memory_space<vmem>>
      tpu.wait_dma2 semaphore(%arg19 : memref<!tpu.dma_semaphore, #tpu.memory_space<semaphore_mem>>) src(%dma_wait3A_403 : memref<128x64xf32, #tpu.memory_space<vmem>>) dst(%dma_wait3A_400 : memref<128x64xf32, #tpu.memory_space<hbm>>)
      %add3A_404 = arith.constant 5 : i32
      %add3A_405 = arith.addi %mul3A_207, %add3A_404 : i32
      %add3A_406 = arith.constant 3 : i32
      %add3A_407 = arith.addi %add3A_405, %add3A_406 : i32
      %dma_start3A_408 = arith.constant 0 : i32
      %dma_start3A_409 = tpu.memref_slice %arg5[%add3A_407, %dma_start3A_408] : memref<50x128xi32, #tpu.memory_space<vmem>> -> memref<1x128xi32, #tpu.memory_space<vmem>>
      %dma_start3A_410 = tpu.memref_squeeze %dma_start3A_409 : memref<1x128xi32, #tpu.memory_space<vmem>> -> memref<128xi32, #tpu.memory_space<vmem>>
      %dma_start3A_411 = arith.constant 0 : i32
      %dma_start3A_412 = arith.constant 0 : i32
      %dma_start3A_413 = tpu.memref_slice %arg2[%dma_start3A_411, %dma_start3A_412] : memref<1000000x128xf32, #tpu.memory_space<hbm>> -> memref<1000000x128xf32, #tpu.memory_space<hbm>>
      tpu.enqueue_indirect_dma source(%dma_start3A_413 : memref<1000000x128xf32, #tpu.memory_space<hbm>>) target(%arg9 : memref<128x128xf32, #tpu.memory_space<vmem>>) offsets(%dma_start3A_410 : memref<128xi32, #tpu.memory_space<vmem>>) semaphore(%arg14 : memref<!tpu.dma_semaphore, #tpu.memory_space<semaphore_mem>>)
      %add3A_414 = arith.constant 4 : i32
      %add3A_415 = arith.addi %mul3A_207, %add3A_414 : i32
      %dma_wait3A_416 = arith.constant 0 : i32
      %dma_wait3A_417 = arith.constant 0 : i32
      %dma_wait3A_418 = tpu.memref_slice %arg10[%dma_wait3A_416, %dma_wait3A_417] : memref<128x128xf32, #tpu.memory_space<vmem>> -> memref<128x64xf32, #tpu.memory_space<vmem>>
      %dma_wait3A_419 = arith.constant 0 : i32
      %dma_wait3A_420 = tpu.memref_slice %arg4[%mul3A_2, %add3A_415, %dma_wait3A_419] : memref<4096x50x64xf32, #tpu.memory_space<hbm>> -> memref<128x1x64xf32, #tpu.memory_space<hbm>>
      %dma_wait3A_421 = tpu.memref_squeeze %dma_wait3A_420 : memref<128x1x64xf32, #tpu.memory_space<hbm>> -> memref<128x64xf32, #tpu.memory_space<hbm>>
      %dma_wait3A_422 = arith.constant 0 : i32
      %dma_wait3A_423 = tpu.memref_slice %arg4[%mul3A_2, %add3A_415, %dma_wait3A_422] : memref<4096x50x64xf32, #tpu.memory_space<hbm>> -> memref<128x1x64xf32, #tpu.memory_space<hbm>>
      %dma_wait3A_424 = tpu.memref_squeeze %dma_wait3A_423 : memref<128x1x64xf32, #tpu.memory_space<hbm>> -> memref<128x64xf32, #tpu.memory_space<hbm>>
      %dma_wait3A_425 = arith.constant 0 : i32
      %dma_wait3A_426 = arith.constant 0 : i32
      %dma_wait3A_427 = tpu.memref_slice %arg10[%dma_wait3A_425, %dma_wait3A_426] : memref<128x128xf32, #tpu.memory_space<vmem>> -> memref<128x64xf32, #tpu.memory_space<vmem>>
      tpu.wait_dma2 semaphore(%arg20 : memref<!tpu.dma_semaphore, #tpu.memory_space<semaphore_mem>>) src(%dma_wait3A_427 : memref<128x64xf32, #tpu.memory_space<vmem>>) dst(%dma_wait3A_424 : memref<128x64xf32, #tpu.memory_space<hbm>>)
      %add3A_428 = arith.constant 5 : i32
      %add3A_429 = arith.addi %mul3A_207, %add3A_428 : i32
      %add3A_430 = arith.constant 4 : i32
      %add3A_431 = arith.addi %add3A_429, %add3A_430 : i32
      %dma_start3A_432 = arith.constant 0 : i32
      %dma_start3A_433 = tpu.memref_slice %arg5[%add3A_431, %dma_start3A_432] : memref<50x128xi32, #tpu.memory_space<vmem>> -> memref<1x128xi32, #tpu.memory_space<vmem>>
      %dma_start3A_434 = tpu.memref_squeeze %dma_start3A_433 : memref<1x128xi32, #tpu.memory_space<vmem>> -> memref<128xi32, #tpu.memory_space<vmem>>
      %dma_start3A_435 = arith.constant 0 : i32
      %dma_start3A_436 = arith.constant 0 : i32
      %dma_start3A_437 = tpu.memref_slice %arg2[%dma_start3A_435, %dma_start3A_436] : memref<1000000x128xf32, #tpu.memory_space<hbm>> -> memref<1000000x128xf32, #tpu.memory_space<hbm>>
      tpu.enqueue_indirect_dma source(%dma_start3A_437 : memref<1000000x128xf32, #tpu.memory_space<hbm>>) target(%arg10 : memref<128x128xf32, #tpu.memory_space<vmem>>) offsets(%dma_start3A_434 : memref<128xi32, #tpu.memory_space<vmem>>) semaphore(%arg15 : memref<!tpu.dma_semaphore, #tpu.memory_space<semaphore_mem>>)
    }
    %scan3A_40 = arith.constant 9 : i32
    %dma_wait3A = arith.constant 45 : i32
    %dma_wait3A_41 = arith.constant 0 : i32
    %dma_wait3A_42 = tpu.memref_slice %arg5[%dma_wait3A, %dma_wait3A_41] : memref<50x128xi32, #tpu.memory_space<vmem>> -> memref<1x128xi32, #tpu.memory_space<vmem>>
    %dma_wait3A_43 = tpu.memref_squeeze %dma_wait3A_42 : memref<1x128xi32, #tpu.memory_space<vmem>> -> memref<128xi32, #tpu.memory_space<vmem>>
    %dma_wait3A_44 = arith.constant 0 : i32
    %dma_wait3A_45 = arith.constant 0 : i32
    %dma_wait3A_46 = tpu.memref_slice %arg2[%dma_wait3A_44, %dma_wait3A_45] : memref<1000000x128xf32, #tpu.memory_space<hbm>> -> memref<1000000x128xf32, #tpu.memory_space<hbm>>
    tpu.wait_indirect_dma semaphore(%arg11 : memref<!tpu.dma_semaphore, #tpu.memory_space<semaphore_mem>>) src(%dma_wait3A_46 : memref<1000000x128xf32, #tpu.memory_space<hbm>>) dst(%arg6 : memref<128x128xf32, #tpu.memory_space<vmem>>)
    %dma_start3A_47 = arith.constant 45 : i32
    %dma_start3A_48 = arith.constant 0 : i32
    %dma_start3A_49 = arith.constant 0 : i32
    %dma_start3A_50 = tpu.memref_slice %arg6[%dma_start3A_48, %dma_start3A_49] : memref<128x128xf32, #tpu.memory_space<vmem>> -> memref<128x64xf32, #tpu.memory_space<vmem>>
    %dma_start3A_51 = arith.constant 0 : i32
    %dma_start3A_52 = tpu.memref_slice %arg4[%mul3A_2, %dma_start3A_47, %dma_start3A_51] : memref<4096x50x64xf32, #tpu.memory_space<hbm>> -> memref<128x1x64xf32, #tpu.memory_space<hbm>>
    %dma_start3A_53 = tpu.memref_squeeze %dma_start3A_52 : memref<128x1x64xf32, #tpu.memory_space<hbm>> -> memref<128x64xf32, #tpu.memory_space<hbm>>
    %dma_start3A_54 = arith.constant 0 : i32
    %dma_start3A_55 = tpu.memref_slice %arg4[%mul3A_2, %dma_start3A_47, %dma_start3A_54] : memref<4096x50x64xf32, #tpu.memory_space<hbm>> -> memref<128x1x64xf32, #tpu.memory_space<hbm>>
    %dma_start3A_56 = tpu.memref_squeeze %dma_start3A_55 : memref<128x1x64xf32, #tpu.memory_space<hbm>> -> memref<128x64xf32, #tpu.memory_space<hbm>>
    %dma_start3A_57 = arith.constant 0 : i32
    %dma_start3A_58 = arith.constant 0 : i32
    %dma_start3A_59 = tpu.memref_slice %arg6[%dma_start3A_57, %dma_start3A_58] : memref<128x128xf32, #tpu.memory_space<vmem>> -> memref<128x64xf32, #tpu.memory_space<vmem>>
    tpu.enqueue_dma source(%dma_start3A_59 : memref<128x64xf32, #tpu.memory_space<vmem>>) target(%dma_start3A_56 : memref<128x64xf32, #tpu.memory_space<hbm>>) target_semaphore(%arg16 : memref<!tpu.dma_semaphore, #tpu.memory_space<semaphore_mem>>)
    %dma_wait3A_60 = arith.constant 46 : i32
    %dma_wait3A_61 = arith.constant 0 : i32
    %dma_wait3A_62 = tpu.memref_slice %arg5[%dma_wait3A_60, %dma_wait3A_61] : memref<50x128xi32, #tpu.memory_space<vmem>> -> memref<1x128xi32, #tpu.memory_space<vmem>>
    %dma_wait3A_63 = tpu.memref_squeeze %dma_wait3A_62 : memref<1x128xi32, #tpu.memory_space<vmem>> -> memref<128xi32, #tpu.memory_space<vmem>>
    %dma_wait3A_64 = arith.constant 0 : i32
    %dma_wait3A_65 = arith.constant 0 : i32
    %dma_wait3A_66 = tpu.memref_slice %arg2[%dma_wait3A_64, %dma_wait3A_65] : memref<1000000x128xf32, #tpu.memory_space<hbm>> -> memref<1000000x128xf32, #tpu.memory_space<hbm>>
    tpu.wait_indirect_dma semaphore(%arg12 : memref<!tpu.dma_semaphore, #tpu.memory_space<semaphore_mem>>) src(%dma_wait3A_66 : memref<1000000x128xf32, #tpu.memory_space<hbm>>) dst(%arg7 : memref<128x128xf32, #tpu.memory_space<vmem>>)
    %dma_start3A_67 = arith.constant 46 : i32
    %dma_start3A_68 = arith.constant 0 : i32
    %dma_start3A_69 = arith.constant 0 : i32
    %dma_start3A_70 = tpu.memref_slice %arg7[%dma_start3A_68, %dma_start3A_69] : memref<128x128xf32, #tpu.memory_space<vmem>> -> memref<128x64xf32, #tpu.memory_space<vmem>>
    %dma_start3A_71 = arith.constant 0 : i32
    %dma_start3A_72 = tpu.memref_slice %arg4[%mul3A_2, %dma_start3A_67, %dma_start3A_71] : memref<4096x50x64xf32, #tpu.memory_space<hbm>> -> memref<128x1x64xf32, #tpu.memory_space<hbm>>
    %dma_start3A_73 = tpu.memref_squeeze %dma_start3A_72 : memref<128x1x64xf32, #tpu.memory_space<hbm>> -> memref<128x64xf32, #tpu.memory_space<hbm>>
    %dma_start3A_74 = arith.constant 0 : i32
    %dma_start3A_75 = tpu.memref_slice %arg4[%mul3A_2, %dma_start3A_67, %dma_start3A_74] : memref<4096x50x64xf32, #tpu.memory_space<hbm>> -> memref<128x1x64xf32, #tpu.memory_space<hbm>>
    %dma_start3A_76 = tpu.memref_squeeze %dma_start3A_75 : memref<128x1x64xf32, #tpu.memory_space<hbm>> -> memref<128x64xf32, #tpu.memory_space<hbm>>
    %dma_start3A_77 = arith.constant 0 : i32
    %dma_start3A_78 = arith.constant 0 : i32
    %dma_start3A_79 = tpu.memref_slice %arg7[%dma_start3A_77, %dma_start3A_78] : memref<128x128xf32, #tpu.memory_space<vmem>> -> memref<128x64xf32, #tpu.memory_space<vmem>>
    tpu.enqueue_dma source(%dma_start3A_79 : memref<128x64xf32, #tpu.memory_space<vmem>>) target(%dma_start3A_76 : memref<128x64xf32, #tpu.memory_space<hbm>>) target_semaphore(%arg17 : memref<!tpu.dma_semaphore, #tpu.memory_space<semaphore_mem>>)
    %dma_wait3A_80 = arith.constant 47 : i32
    %dma_wait3A_81 = arith.constant 0 : i32
    %dma_wait3A_82 = tpu.memref_slice %arg5[%dma_wait3A_80, %dma_wait3A_81] : memref<50x128xi32, #tpu.memory_space<vmem>> -> memref<1x128xi32, #tpu.memory_space<vmem>>
    %dma_wait3A_83 = tpu.memref_squeeze %dma_wait3A_82 : memref<1x128xi32, #tpu.memory_space<vmem>> -> memref<128xi32, #tpu.memory_space<vmem>>
    %dma_wait3A_84 = arith.constant 0 : i32
    %dma_wait3A_85 = arith.constant 0 : i32
    %dma_wait3A_86 = tpu.memref_slice %arg2[%dma_wait3A_84, %dma_wait3A_85] : memref<1000000x128xf32, #tpu.memory_space<hbm>> -> memref<1000000x128xf32, #tpu.memory_space<hbm>>
    tpu.wait_indirect_dma semaphore(%arg13 : memref<!tpu.dma_semaphore, #tpu.memory_space<semaphore_mem>>) src(%dma_wait3A_86 : memref<1000000x128xf32, #tpu.memory_space<hbm>>) dst(%arg8 : memref<128x128xf32, #tpu.memory_space<vmem>>)
    %dma_start3A_87 = arith.constant 47 : i32
    %dma_start3A_88 = arith.constant 0 : i32
    %dma_start3A_89 = arith.constant 0 : i32
    %dma_start3A_90 = tpu.memref_slice %arg8[%dma_start3A_88, %dma_start3A_89] : memref<128x128xf32, #tpu.memory_space<vmem>> -> memref<128x64xf32, #tpu.memory_space<vmem>>
    %dma_start3A_91 = arith.constant 0 : i32
    %dma_start3A_92 = tpu.memref_slice %arg4[%mul3A_2, %dma_start3A_87, %dma_start3A_91] : memref<4096x50x64xf32, #tpu.memory_space<hbm>> -> memref<128x1x64xf32, #tpu.memory_space<hbm>>
    %dma_start3A_93 = tpu.memref_squeeze %dma_start3A_92 : memref<128x1x64xf32, #tpu.memory_space<hbm>> -> memref<128x64xf32, #tpu.memory_space<hbm>>
    %dma_start3A_94 = arith.constant 0 : i32
    %dma_start3A_95 = tpu.memref_slice %arg4[%mul3A_2, %dma_start3A_87, %dma_start3A_94] : memref<4096x50x64xf32, #tpu.memory_space<hbm>> -> memref<128x1x64xf32, #tpu.memory_space<hbm>>
    %dma_start3A_96 = tpu.memref_squeeze %dma_start3A_95 : memref<128x1x64xf32, #tpu.memory_space<hbm>> -> memref<128x64xf32, #tpu.memory_space<hbm>>
    %dma_start3A_97 = arith.constant 0 : i32
    %dma_start3A_98 = arith.constant 0 : i32
    %dma_start3A_99 = tpu.memref_slice %arg8[%dma_start3A_97, %dma_start3A_98] : memref<128x128xf32, #tpu.memory_space<vmem>> -> memref<128x64xf32, #tpu.memory_space<vmem>>
    tpu.enqueue_dma source(%dma_start3A_99 : memref<128x64xf32, #tpu.memory_space<vmem>>) target(%dma_start3A_96 : memref<128x64xf32, #tpu.memory_space<hbm>>) target_semaphore(%arg18 : memref<!tpu.dma_semaphore, #tpu.memory_space<semaphore_mem>>)
    %dma_wait3A_100 = arith.constant 48 : i32
    %dma_wait3A_101 = arith.constant 0 : i32
    %dma_wait3A_102 = tpu.memref_slice %arg5[%dma_wait3A_100, %dma_wait3A_101] : memref<50x128xi32, #tpu.memory_space<vmem>> -> memref<1x128xi32, #tpu.memory_space<vmem>>
    %dma_wait3A_103 = tpu.memref_squeeze %dma_wait3A_102 : memref<1x128xi32, #tpu.memory_space<vmem>> -> memref<128xi32, #tpu.memory_space<vmem>>
    %dma_wait3A_104 = arith.constant 0 : i32
    %dma_wait3A_105 = arith.constant 0 : i32
    %dma_wait3A_106 = tpu.memref_slice %arg2[%dma_wait3A_104, %dma_wait3A_105] : memref<1000000x128xf32, #tpu.memory_space<hbm>> -> memref<1000000x128xf32, #tpu.memory_space<hbm>>
    tpu.wait_indirect_dma semaphore(%arg14 : memref<!tpu.dma_semaphore, #tpu.memory_space<semaphore_mem>>) src(%dma_wait3A_106 : memref<1000000x128xf32, #tpu.memory_space<hbm>>) dst(%arg9 : memref<128x128xf32, #tpu.memory_space<vmem>>)
    %dma_start3A_107 = arith.constant 48 : i32
    %dma_start3A_108 = arith.constant 0 : i32
    %dma_start3A_109 = arith.constant 0 : i32
    %dma_start3A_110 = tpu.memref_slice %arg9[%dma_start3A_108, %dma_start3A_109] : memref<128x128xf32, #tpu.memory_space<vmem>> -> memref<128x64xf32, #tpu.memory_space<vmem>>
    %dma_start3A_111 = arith.constant 0 : i32
    %dma_start3A_112 = tpu.memref_slice %arg4[%mul3A_2, %dma_start3A_107, %dma_start3A_111] : memref<4096x50x64xf32, #tpu.memory_space<hbm>> -> memref<128x1x64xf32, #tpu.memory_space<hbm>>
    %dma_start3A_113 = tpu.memref_squeeze %dma_start3A_112 : memref<128x1x64xf32, #tpu.memory_space<hbm>> -> memref<128x64xf32, #tpu.memory_space<hbm>>
    %dma_start3A_114 = arith.constant 0 : i32
    %dma_start3A_115 = tpu.memref_slice %arg4[%mul3A_2, %dma_start3A_107, %dma_start3A_114] : memref<4096x50x64xf32, #tpu.memory_space<hbm>> -> memref<128x1x64xf32, #tpu.memory_space<hbm>>
    %dma_start3A_116 = tpu.memref_squeeze %dma_start3A_115 : memref<128x1x64xf32, #tpu.memory_space<hbm>> -> memref<128x64xf32, #tpu.memory_space<hbm>>
    %dma_start3A_117 = arith.constant 0 : i32
    %dma_start3A_118 = arith.constant 0 : i32
    %dma_start3A_119 = tpu.memref_slice %arg9[%dma_start3A_117, %dma_start3A_118] : memref<128x128xf32, #tpu.memory_space<vmem>> -> memref<128x64xf32, #tpu.memory_space<vmem>>
    tpu.enqueue_dma source(%dma_start3A_119 : memref<128x64xf32, #tpu.memory_space<vmem>>) target(%dma_start3A_116 : memref<128x64xf32, #tpu.memory_space<hbm>>) target_semaphore(%arg19 : memref<!tpu.dma_semaphore, #tpu.memory_space<semaphore_mem>>)
    %dma_wait3A_120 = arith.constant 49 : i32
    %dma_wait3A_121 = arith.constant 0 : i32
    %dma_wait3A_122 = tpu.memref_slice %arg5[%dma_wait3A_120, %dma_wait3A_121] : memref<50x128xi32, #tpu.memory_space<vmem>> -> memref<1x128xi32, #tpu.memory_space<vmem>>
    %dma_wait3A_123 = tpu.memref_squeeze %dma_wait3A_122 : memref<1x128xi32, #tpu.memory_space<vmem>> -> memref<128xi32, #tpu.memory_space<vmem>>
    %dma_wait3A_124 = arith.constant 0 : i32
    %dma_wait3A_125 = arith.constant 0 : i32
    %dma_wait3A_126 = tpu.memref_slice %arg2[%dma_wait3A_124, %dma_wait3A_125] : memref<1000000x128xf32, #tpu.memory_space<hbm>> -> memref<1000000x128xf32, #tpu.memory_space<hbm>>
    tpu.wait_indirect_dma semaphore(%arg15 : memref<!tpu.dma_semaphore, #tpu.memory_space<semaphore_mem>>) src(%dma_wait3A_126 : memref<1000000x128xf32, #tpu.memory_space<hbm>>) dst(%arg10 : memref<128x128xf32, #tpu.memory_space<vmem>>)
    %dma_start3A_127 = arith.constant 49 : i32
    %dma_start3A_128 = arith.constant 0 : i32
    %dma_start3A_129 = arith.constant 0 : i32
    %dma_start3A_130 = tpu.memref_slice %arg10[%dma_start3A_128, %dma_start3A_129] : memref<128x128xf32, #tpu.memory_space<vmem>> -> memref<128x64xf32, #tpu.memory_space<vmem>>
    %dma_start3A_131 = arith.constant 0 : i32
    %dma_start3A_132 = tpu.memref_slice %arg4[%mul3A_2, %dma_start3A_127, %dma_start3A_131] : memref<4096x50x64xf32, #tpu.memory_space<hbm>> -> memref<128x1x64xf32, #tpu.memory_space<hbm>>
    %dma_start3A_133 = tpu.memref_squeeze %dma_start3A_132 : memref<128x1x64xf32, #tpu.memory_space<hbm>> -> memref<128x64xf32, #tpu.memory_space<hbm>>
    %dma_start3A_134 = arith.constant 0 : i32
    %dma_start3A_135 = tpu.memref_slice %arg4[%mul3A_2, %dma_start3A_127, %dma_start3A_134] : memref<4096x50x64xf32, #tpu.memory_space<hbm>> -> memref<128x1x64xf32, #tpu.memory_space<hbm>>
    %dma_start3A_136 = tpu.memref_squeeze %dma_start3A_135 : memref<128x1x64xf32, #tpu.memory_space<hbm>> -> memref<128x64xf32, #tpu.memory_space<hbm>>
    %dma_start3A_137 = arith.constant 0 : i32
    %dma_start3A_138 = arith.constant 0 : i32
    %dma_start3A_139 = tpu.memref_slice %arg10[%dma_start3A_137, %dma_start3A_138] : memref<128x128xf32, #tpu.memory_space<vmem>> -> memref<128x64xf32, #tpu.memory_space<vmem>>
    tpu.enqueue_dma source(%dma_start3A_139 : memref<128x64xf32, #tpu.memory_space<vmem>>) target(%dma_start3A_136 : memref<128x64xf32, #tpu.memory_space<hbm>>) target_semaphore(%arg20 : memref<!tpu.dma_semaphore, #tpu.memory_space<semaphore_mem>>)
    %dma_wait3A_140 = arith.constant 45 : i32
    %dma_wait3A_141 = arith.constant 0 : i32
    %dma_wait3A_142 = arith.constant 0 : i32
    %dma_wait3A_143 = tpu.memref_slice %arg6[%dma_wait3A_141, %dma_wait3A_142] : memref<128x128xf32, #tpu.memory_space<vmem>> -> memref<128x64xf32, #tpu.memory_space<vmem>>
    %dma_wait3A_144 = arith.constant 0 : i32
    %dma_wait3A_145 = tpu.memref_slice %arg4[%mul3A_2, %dma_wait3A_140, %dma_wait3A_144] : memref<4096x50x64xf32, #tpu.memory_space<hbm>> -> memref<128x1x64xf32, #tpu.memory_space<hbm>>
    %dma_wait3A_146 = tpu.memref_squeeze %dma_wait3A_145 : memref<128x1x64xf32, #tpu.memory_space<hbm>> -> memref<128x64xf32, #tpu.memory_space<hbm>>
    %dma_wait3A_147 = arith.constant 0 : i32
    %dma_wait3A_148 = tpu.memref_slice %arg4[%mul3A_2, %dma_wait3A_140, %dma_wait3A_147] : memref<4096x50x64xf32, #tpu.memory_space<hbm>> -> memref<128x1x64xf32, #tpu.memory_space<hbm>>
    %dma_wait3A_149 = tpu.memref_squeeze %dma_wait3A_148 : memref<128x1x64xf32, #tpu.memory_space<hbm>> -> memref<128x64xf32, #tpu.memory_space<hbm>>
    %dma_wait3A_150 = arith.constant 0 : i32
    %dma_wait3A_151 = arith.constant 0 : i32
    %dma_wait3A_152 = tpu.memref_slice %arg6[%dma_wait3A_150, %dma_wait3A_151] : memref<128x128xf32, #tpu.memory_space<vmem>> -> memref<128x64xf32, #tpu.memory_space<vmem>>
    tpu.wait_dma2 semaphore(%arg16 : memref<!tpu.dma_semaphore, #tpu.memory_space<semaphore_mem>>) src(%dma_wait3A_152 : memref<128x64xf32, #tpu.memory_space<vmem>>) dst(%dma_wait3A_149 : memref<128x64xf32, #tpu.memory_space<hbm>>)
    %dma_wait3A_153 = arith.constant 46 : i32
    %dma_wait3A_154 = arith.constant 0 : i32
    %dma_wait3A_155 = arith.constant 0 : i32
    %dma_wait3A_156 = tpu.memref_slice %arg7[%dma_wait3A_154, %dma_wait3A_155] : memref<128x128xf32, #tpu.memory_space<vmem>> -> memref<128x64xf32, #tpu.memory_space<vmem>>
    %dma_wait3A_157 = arith.constant 0 : i32
    %dma_wait3A_158 = tpu.memref_slice %arg4[%mul3A_2, %dma_wait3A_153, %dma_wait3A_157] : memref<4096x50x64xf32, #tpu.memory_space<hbm>> -> memref<128x1x64xf32, #tpu.memory_space<hbm>>
    %dma_wait3A_159 = tpu.memref_squeeze %dma_wait3A_158 : memref<128x1x64xf32, #tpu.memory_space<hbm>> -> memref<128x64xf32, #tpu.memory_space<hbm>>
    %dma_wait3A_160 = arith.constant 0 : i32
    %dma_wait3A_161 = tpu.memref_slice %arg4[%mul3A_2, %dma_wait3A_153, %dma_wait3A_160] : memref<4096x50x64xf32, #tpu.memory_space<hbm>> -> memref<128x1x64xf32, #tpu.memory_space<hbm>>
    %dma_wait3A_162 = tpu.memref_squeeze %dma_wait3A_161 : memref<128x1x64xf32, #tpu.memory_space<hbm>> -> memref<128x64xf32, #tpu.memory_space<hbm>>
    %dma_wait3A_163 = arith.constant 0 : i32
    %dma_wait3A_164 = arith.constant 0 : i32
    %dma_wait3A_165 = tpu.memref_slice %arg7[%dma_wait3A_163, %dma_wait3A_164] : memref<128x128xf32, #tpu.memory_space<vmem>> -> memref<128x64xf32, #tpu.memory_space<vmem>>
    tpu.wait_dma2 semaphore(%arg17 : memref<!tpu.dma_semaphore, #tpu.memory_space<semaphore_mem>>) src(%dma_wait3A_165 : memref<128x64xf32, #tpu.memory_space<vmem>>) dst(%dma_wait3A_162 : memref<128x64xf32, #tpu.memory_space<hbm>>)
    %dma_wait3A_166 = arith.constant 47 : i32
    %dma_wait3A_167 = arith.constant 0 : i32
    %dma_wait3A_168 = arith.constant 0 : i32
    %dma_wait3A_169 = tpu.memref_slice %arg8[%dma_wait3A_167, %dma_wait3A_168] : memref<128x128xf32, #tpu.memory_space<vmem>> -> memref<128x64xf32, #tpu.memory_space<vmem>>
    %dma_wait3A_170 = arith.constant 0 : i32
    %dma_wait3A_171 = tpu.memref_slice %arg4[%mul3A_2, %dma_wait3A_166, %dma_wait3A_170] : memref<4096x50x64xf32, #tpu.memory_space<hbm>> -> memref<128x1x64xf32, #tpu.memory_space<hbm>>
    %dma_wait3A_172 = tpu.memref_squeeze %dma_wait3A_171 : memref<128x1x64xf32, #tpu.memory_space<hbm>> -> memref<128x64xf32, #tpu.memory_space<hbm>>
    %dma_wait3A_173 = arith.constant 0 : i32
    %dma_wait3A_174 = tpu.memref_slice %arg4[%mul3A_2, %dma_wait3A_166, %dma_wait3A_173] : memref<4096x50x64xf32, #tpu.memory_space<hbm>> -> memref<128x1x64xf32, #tpu.memory_space<hbm>>
    %dma_wait3A_175 = tpu.memref_squeeze %dma_wait3A_174 : memref<128x1x64xf32, #tpu.memory_space<hbm>> -> memref<128x64xf32, #tpu.memory_space<hbm>>
    %dma_wait3A_176 = arith.constant 0 : i32
    %dma_wait3A_177 = arith.constant 0 : i32
    %dma_wait3A_178 = tpu.memref_slice %arg8[%dma_wait3A_176, %dma_wait3A_177] : memref<128x128xf32, #tpu.memory_space<vmem>> -> memref<128x64xf32, #tpu.memory_space<vmem>>
    tpu.wait_dma2 semaphore(%arg18 : memref<!tpu.dma_semaphore, #tpu.memory_space<semaphore_mem>>) src(%dma_wait3A_178 : memref<128x64xf32, #tpu.memory_space<vmem>>) dst(%dma_wait3A_175 : memref<128x64xf32, #tpu.memory_space<hbm>>)
    %dma_wait3A_179 = arith.constant 48 : i32
    %dma_wait3A_180 = arith.constant 0 : i32
    %dma_wait3A_181 = arith.constant 0 : i32
    %dma_wait3A_182 = tpu.memref_slice %arg9[%dma_wait3A_180, %dma_wait3A_181] : memref<128x128xf32, #tpu.memory_space<vmem>> -> memref<128x64xf32, #tpu.memory_space<vmem>>
    %dma_wait3A_183 = arith.constant 0 : i32
    %dma_wait3A_184 = tpu.memref_slice %arg4[%mul3A_2, %dma_wait3A_179, %dma_wait3A_183] : memref<4096x50x64xf32, #tpu.memory_space<hbm>> -> memref<128x1x64xf32, #tpu.memory_space<hbm>>
    %dma_wait3A_185 = tpu.memref_squeeze %dma_wait3A_184 : memref<128x1x64xf32, #tpu.memory_space<hbm>> -> memref<128x64xf32, #tpu.memory_space<hbm>>
    %dma_wait3A_186 = arith.constant 0 : i32
    %dma_wait3A_187 = tpu.memref_slice %arg4[%mul3A_2, %dma_wait3A_179, %dma_wait3A_186] : memref<4096x50x64xf32, #tpu.memory_space<hbm>> -> memref<128x1x64xf32, #tpu.memory_space<hbm>>
    %dma_wait3A_188 = tpu.memref_squeeze %dma_wait3A_187 : memref<128x1x64xf32, #tpu.memory_space<hbm>> -> memref<128x64xf32, #tpu.memory_space<hbm>>
    %dma_wait3A_189 = arith.constant 0 : i32
    %dma_wait3A_190 = arith.constant 0 : i32
    %dma_wait3A_191 = tpu.memref_slice %arg9[%dma_wait3A_189, %dma_wait3A_190] : memref<128x128xf32, #tpu.memory_space<vmem>> -> memref<128x64xf32, #tpu.memory_space<vmem>>
    tpu.wait_dma2 semaphore(%arg19 : memref<!tpu.dma_semaphore, #tpu.memory_space<semaphore_mem>>) src(%dma_wait3A_191 : memref<128x64xf32, #tpu.memory_space<vmem>>) dst(%dma_wait3A_188 : memref<128x64xf32, #tpu.memory_space<hbm>>)
    %dma_wait3A_192 = arith.constant 49 : i32
    %dma_wait3A_193 = arith.constant 0 : i32
    %dma_wait3A_194 = arith.constant 0 : i32
    %dma_wait3A_195 = tpu.memref_slice %arg10[%dma_wait3A_193, %dma_wait3A_194] : memref<128x128xf32, #tpu.memory_space<vmem>> -> memref<128x64xf32, #tpu.memory_space<vmem>>
    %dma_wait3A_196 = arith.constant 0 : i32
    %dma_wait3A_197 = tpu.memref_slice %arg4[%mul3A_2, %dma_wait3A_192, %dma_wait3A_196] : memref<4096x50x64xf32, #tpu.memory_space<hbm>> -> memref<128x1x64xf32, #tpu.memory_space<hbm>>
    %dma_wait3A_198 = tpu.memref_squeeze %dma_wait3A_197 : memref<128x1x64xf32, #tpu.memory_space<hbm>> -> memref<128x64xf32, #tpu.memory_space<hbm>>
    %dma_wait3A_199 = arith.constant 0 : i32
    %dma_wait3A_200 = tpu.memref_slice %arg4[%mul3A_2, %dma_wait3A_192, %dma_wait3A_199] : memref<4096x50x64xf32, #tpu.memory_space<hbm>> -> memref<128x1x64xf32, #tpu.memory_space<hbm>>
    %dma_wait3A_201 = tpu.memref_squeeze %dma_wait3A_200 : memref<128x1x64xf32, #tpu.memory_space<hbm>> -> memref<128x64xf32, #tpu.memory_space<hbm>>
    %dma_wait3A_202 = arith.constant 0 : i32
    %dma_wait3A_203 = arith.constant 0 : i32
    %dma_wait3A_204 = tpu.memref_slice %arg10[%dma_wait3A_202, %dma_wait3A_203] : memref<128x128xf32, #tpu.memory_space<vmem>> -> memref<128x64xf32, #tpu.memory_space<vmem>>
    tpu.wait_dma2 semaphore(%arg20 : memref<!tpu.dma_semaphore, #tpu.memory_space<semaphore_mem>>) src(%dma_wait3A_204 : memref<128x64xf32, #tpu.memory_space<vmem>>) dst(%dma_wait3A_201 : memref<128x64xf32, #tpu.memory_space<hbm>>)
    return
  }
}

</mosaic_0001>

<sc_bundles>
// kernel: _embedding_gather.3.cloned.1.call-start
scs
__scs_entry_jumppad:
0x0: {  	(pc) =	sbr.rel $0x88, $3  }
0x1: {  	(tag) =	ssettag $0x0;
	lr =	simm.s32 $0x1  }
0x2: {  	[smem:$0x3F9F] =	sst lr;
	_ =	strace $0xD0000000  }
0x3: {  	_ = 	snop  }
0x4: {  	_ = 	snop  }
0x5: {  	_ = 	snop  }
0x6: {  	_ = 	snop  }
0x7: {  	_ = 	snop  }
__scs_overlays_trampoline_lowered:
0x8: {  	[smem:$0x3FAE] =	sst s0  }
0x9: {  	[smem:$0x3FAF] =	sst s1  }
0xa: {  	[smem:$0x3FB0] =	sst s2  }
0xb: {  	[smem:$0x3FB1] =	sst s3  }
0xc: {  	[smem:$0x3FB2] =	sst s4  }
0xd: {  	[smem:$0x3FB3] =	sst s5  }
0xe: {  	[smem:$0x3FB4] =	sst s6  }
0xf: {  	[smem:$0x3FB5] =	sst s7  }
0x10: {  	[smem:$0x3FB6] =	sst s8  }
0x11: {  	[smem:$0x3FB7] =	sst s9;
	s0 =	simm.s32 @!p0 $0x0  }
0x12: {  	s1 =	sld [smem:$0x3F9D];
	s0 =	simm.s32 @p0 $0x1  }
0x13: {  	[smem:$0x3FB8] =	sst s0;
	s0 =	simm.s32 @!p1 $0x0  }
0x14: {  	s2 =	sld [smem:$0x3F9C];
	s0 =	simm.s32 @p1 $0x1  }
0x15: {  	[smem:$0x3FB9] =	sst s0;
	s0 =	simm.s32 @!p2 $0x0  }
0x16: {  	s3 =	sld [smem:$0x3FDB];
	s0 =	simm.s32 @p2 $0x1  }
0x17: {  	s4 =	simm.s32 $0x1BF5;
	[smem:$0x3FBB] =	sst s0  }
0x18: {  	s0 =	sld [smem:$0x3F9E];
	_ =	swait.ge [sflag:s4], $0x0  }
0x19: {  	s7 =	sld [smem:$0x3F9F]  }
0x1a: {  	s8 =	sadd.s32 $0xFFFFE003, lr  }
0x1b: {  	s9 =	sadd.s32 $0xFFFFFEF7, lr;
	s5 =	simm.s32 $0xFFFFFFFF;
	p2 =	slt.u32 s8, $0xFFFFF086  }
0x1c: {  	p1 =	slt.u32 s9, $0xF7A;
	s5 =	simm.s32 @!p2 $0x0  }
0x1d: {  	s5 =	simm.s32 @p1 $0x1;
	p0 =	seq.s32 s7, s2  }
0x1e: {  	s7 =	smul.u32 @!p0 $0xF7A, s2;
	p2 =	seq.s32 @!p0 s5, $0x0  }
0x1f: {  	s9 =	smul.u32 $0xF7A, s1;
	s8 =	simm.s32 @!p0 $0x1BF5;
	p2 =	por !p2, p0  }
0x20: {  	[sflag:s8] =	ssyncset.s32 @!p0 $0xFFFFF086;
	s6 =	sadd.s32 @!p0 s3, s7;
	s7 =	simm.s32 @!p0 $0x108  }
0x21: {  	s3 =	sadd.s32 s3, s9;
	s6 =	sadd.s32 @!p0 $0x88, s6;
	s7 =	simm.s32 @p2 $0x1082  }
0x22: {  	[simem:s7], [sflag:s8] =	dma.local @!p0 [hbm:s6], $0xF7A  }
0x23: {  	s9 =	sor.u32 $0xD0000000, s2;
	s6 =	simm.s32 $0x108;
	_ =	swait.ge @!p0 [sflag:s8], $0x0  }
0x24: {  	s3 =	sadd.s32 $0x88, s3;
	s6 =	simm.s32 @!p1 $0x1082;
	[sflag:s4] =	ssyncset.s32 $0xFFFFF086  }
0x25: {  	[simem:s6], [sflag:s4] =	dma.local [hbm:s3], $0xF7A  }
0x26: {  	[smem:$0x3F9F] =	sst s1;
	(tag) =	ssettag s2;
	_ =	strace s9  }
0x27: {  	s1 =	sld [smem:$0x3FAF]  }
0x28: {  	s2 =	sld [smem:$0x3FB0]  }
0x29: {  	s4 =	sld [smem:$0x3FB2]  }
0x2a: {  	p0 =	seq.s32 s5, $0x0;
	s5 =	sld [smem:$0x3FB3]  }
0x2b: {  	s6 =	sld [smem:$0x3FB4]  }
0x2c: {  	s7 =	sld [smem:$0x3FB5]  }
0x2d: {  	s3 =	simm.s32 $0x108;
	s8 =	sld [smem:$0x3FB6]  }
0x2e: {  	s3 =	simm.s32 @!p0 $0x1082;
	s9 =	sld [smem:$0x3FB7]  }
0x2f: {  	lr =	sadd.s32 s0, s3;
	s0 =	sld [smem:$0x3FAE]  }
0x30: {  	s3 =	sld [smem:$0x3FB1]  }
0x31: {  	[smem:$0x3FBA] =	sst s10  }
0x32: {  	s10 =	sld [smem:$0x3FB8];
	_ =	sdelay $0x3  }
0x33: {  	p0 =	seq.s32 s10, $0x1;
	s10 =	sld [smem:$0x3FBA];
	_ =	sdelay $0x3  }
0x34: {  	[smem:$0x3FBA] =	sst s10  }
0x35: {  	s10 =	sld [smem:$0x3FB9];
	_ =	sdelay $0x3  }
0x36: {  	p1 =	seq.s32 s10, $0x1;
	s10 =	sld [smem:$0x3FBA];
	_ =	sdelay $0x3  }
0x37: {  	[smem:$0x3FBA] =	sst s10  }
0x38: {  	s10 =	sld [smem:$0x3FBB]  }
0x39: {  	_ = 	snop;
	(pc) =	sbr.ind lr, $3  }
0x3a: {  	_ = 	snop  }
0x3b: {  	_ = 	snop  }
0x3c: {  	p2 =	seq.s32 s10, $0x1;
	s10 =	sld [smem:$0x3FBA]  }
0x3d: {  	_ =	shalt  }
0x3e: {  	_ =	shalt  }
0x3f: {  	_ =	shalt  }
0x40: {  	_ =	shalt  }
0x41: {  	_ =	shalt  }
0x42: {  	_ =	shalt  }
0x43: {  	_ =	shalt  }
0x44: {  	_ =	shalt  }
0x45: {  	_ =	shalt  }
0x46: {  	_ =	shalt  }
0x47: {  	_ =	shalt  }
0x48: {  	_ =	shalt  }
0x49: {  	_ =	shalt  }
0x4a: {  	_ =	shalt  }
0x4b: {  	_ =	shalt  }
0x4c: {  	_ =	shalt  }
0x4d: {  	_ =	shalt  }
0x4e: {  	_ =	shalt  }
0x4f: {  	_ =	shalt  }
0x50: {  	_ =	shalt  }
0x51: {  	_ =	shalt  }
0x52: {  	_ =	shalt  }
0x53: {  	_ =	shalt  }
0x54: {  	_ =	shalt  }
0x55: {  	_ =	shalt  }
0x56: {  	_ =	shalt  }
0x57: {  	_ =	shalt  }
0x58: {  	_ =	shalt  }
0x59: {  	_ =	shalt  }
0x5a: {  	_ =	shalt  }
0x5b: {  	_ =	shalt  }
0x5c: {  	_ =	shalt  }
0x5d: {  	_ =	shalt  }
0x5e: {  	_ =	shalt  }
0x5f: {  	_ =	shalt  }
0x60: {  	_ =	shalt  }
0x61: {  	_ =	shalt  }
0x62: {  	_ =	shalt  }
0x63: {  	_ =	shalt  }
0x64: {  	_ =	shalt  }
0x65: {  	_ =	shalt  }
0x66: {  	_ =	shalt  }
0x67: {  	_ =	shalt  }
0x68: {  	_ =	shalt  }
0x69: {  	_ =	shalt  }
0x6a: {  	_ =	shalt  }
0x6b: {  	_ =	shalt  }
0x6c: {  	_ =	shalt  }
0x6d: {  	_ =	shalt  }
0x6e: {  	_ =	shalt  }
0x6f: {  	_ =	shalt  }
0x70: {  	_ =	shalt  }
0x71: {  	_ =	shalt  }
0x72: {  	_ =	shalt  }
0x73: {  	_ =	shalt  }
0x74: {  	_ =	shalt  }
0x75: {  	_ =	shalt  }
0x76: {  	_ =	shalt  }
0x77: {  	_ =	shalt  }
0x78: {  	_ =	shalt  }
0x79: {  	_ =	shalt  }
0x7a: {  	_ =	shalt  }
0x7b: {  	_ =	shalt  }
0x7c: {  	_ =	shalt  }
0x7d: {  	_ =	shalt  }
0x7e: {  	_ =	shalt  }
0x7f: {  	_ =	shalt  }
0x80: {  	_ =	shalt  }
0x81: {  	_ =	shalt  }
0x82: {  	_ =	shalt  }
0x83: {  	_ =	shalt  }
0x84: {  	_ =	shalt  }
0x85: {  	_ =	shalt  }
0x86: {  	_ =	shalt  }
0x87: {  	_ =	shalt  }
.Lfunc_end0:
.L_simem_size_0:
called_computation.1_lowered:
.L_overlay_start_0:
0x88: {  	s2 =	sld [smem:$0x3FD9]  }
0x89: {  	s3 =	sld [smem:$0x3FFE];
	_ =	sdelay $0x1  }
0x8a: {  	s1 =	srdreg.scid  }
0x8b: {  	s0 =	sand.u32 $0x1, s1  }
0x8c: {  	s17 =	sshll.u32 s0, $0xA;
	s2 =	sadd.s32 s3, s2  }
0x8d: {  	s2 =	sadd.s32 s2, s17  }
0x8e: {  	[smem:$0x3FC6] =	sst s2  }
0x8f: {  	_ = 	snop  }
0x90: {  	s2 =	sld [smem:$0x3FC8]  }
0x91: {  	s18 =	sld [smem:$0x3FD0];
	(tm) =	ssettm $0x1  }
0x92: {  	s4 =	sld [smem:$0x3FFB];
	_ =	sdelay $0x3  }
0x93: {  	_ =	strace s4  }
0x94: {  	s4 =	sld [smem:$0x3FFC];
	_ =	sdelay $0x3  }
0x95: {  	_ =	strace s4  }
0x96: {  	s4 =	sld [smem:$0x3FFD];
	_ =	sdelay $0x3  }
0x97: {  	_ =	strace s4  }
0x98: {  	_ =	strace $0x8FFFFFFF  }
0x99: {  	s19 =	sld [smem:$0x3FDB];
	_ =	sdelay $0x1  }
0x9a: {  	s5 =	simm.s32 $_scs_section_size  }
0x9b: {  	s6 =	simm.s32 $_size__tile_overlayer_lowered;
	s7 =	simm.s32 $_tile_overlayer_lowered  }
0x9c: {  	s22 =	simm.s32 $0x1BFF;
	s21 =	sshll.u32 s7, $0x1;
	s4 =	sadd.s32 s5, s19  }
0x9d: {  	s8 =	simm.s32 $0x0;
	s20 =	sshll.u32 s6, $0x1;
	s6 =	sadd.s32 s21, s4  }
0x9e: {  	[timem:s8], [sflag:s22] =	dma.local [hbm:s6], s20  }
0x9f: {  	_ =	swait.ge [sflag:s22], s20  }
0xa0: {  	s5 =	ssub.s32 $0x0, s20;
	[sflag:s22] =	ssyncset.done $0x0  }
0xa1: {  	[sflag:s22] =	ssyncadd.s32 s5;
	_ =	sdelay $0x1  }
0xa2: {  	s23 =	simm.s32 $0x1B8B  }
0xa3: {  	_ =	swait.ge [sflag:s23], $0x1  }
0xa4: {  	[sflag:s23] =	ssyncset.done $0x0  }
0xa5: {  	s25 =	simm.s32 $0x1B8E;
	s24 =	sld [smem:$0x3FFE];
	[sflag:s23] =	ssyncadd.s32 $0xFFFFFFFF  }
0xa6: {  	s26 =	simm.s32 $execute0_lowered;
	[smem:$0x3FD2] =	sst s25  }
0xa7: {  	s6 =	sshll.u32 s26, $0x1;
	_ =	strace $0x80000046;
	[dreg:$0x1] =	wrdreg $0xFFFFFFFF  }
0xa8: {  	s28 =	simm.s32 $_size_execute0_lowered;
	s4 =	sadd.s32 s4, s6;
	[dreg:$0x0] =	wrdreg $0x0  }
0xa9: {  	s6 =	sshll.u32 s28, $0x1;
	[dreg:$0x2] =	wrdreg s4  }
0xaa: {  	[dreg:$0x3] =	wrdreg s6  }
0xab: {  	[dreg:$0x4] =	wrdreg $0xC0  }
0xac: {  	_ =	task [dreg:s8], $0x5FFFF  }
0xad: {  	[dreg:$0x1] =	wrdreg $0xFFFFFFFF  }
0xae: {  	[dreg:$0x0] =	wrdreg $0x60  }
0xaf: {  	[dreg:$0x2] =	wrdreg s2  }
0xb0: {  	[dreg:$0x3] =	wrdreg s24  }
0xb1: {  	[dreg:$0x4] =	wrdreg s18  }
0xb2: {  	[dreg:$0x5] =	wrdreg $0x9  }
0xb3: {  	_ =	task.clear_ibuf [dreg:s8], $0x6FFFF;
	_ =	strace $0x90000046  }
0xb4: {  	s29 =	simm.s32 $0x9;
	_ =	strace $0x80000048  }
0xb5: {  	_ =	swait.ge [sflag:s29], $0x1  }
0xb6: {  	[sflag:s29] =	ssyncadd.s32 $0xFFFFFFFF  }
0xb7: {  	_ =	strace $0x90000048  }
0xb8: {  	_ =	sfence  }
0xb9: {  	s30 =	sld [smem:$0x0];
	_ =	sdelay $0x2  }
0xba: {  	s31 =	sshll.u32 s1, $0xD;
	s1 =	sshrl.u32 s1, $0x2  }
0xbb: {  	s3 =	sand.u32 $0x4000, s31;
	s1 =	sadd.s32 s1, s30  }
0xbc: {  	s0 =	sor.u32 s3, s0;
	s1 =	sshll.u32 s1, $0x11  }
0xbd: {  	s0 =	sor.u32 s1, s0  }
0xbe: {  	s0 =	sadd.s32 $0x8F2B, s0  }
0xbf: {  	[sflag:s0] =	ssyncadd.remote.s32 $0x1  }
0xc0: {  	_ =	sfence.sel $0xFFFF  }
0xc1: {  	[dreg:$0x0] =	wrdreg $0xFFFFFFFF;
	(pc) =	sbr.abs _section_cstart, $3  }
0xc2: {  	[dreg:$0x1] =	wrdreg $0xFFFFFFFF  }
0xc3: {  	_ =	task.clear_ibuf [dreg:s8], $0x2FFFF;
	_ =	strace $0x9FFFFFFF  }
0xc4: {  	(tm) =	ssettm $0x7FFFFFFF  }
0xc5: {  	_ =	shalt  }
tec
execute0_lowered:
.L_overlay_start_1:
0x0: {  	(tag) =	ssettag $0x1  }
0x1: {  	s1 =	rddreg [dreg:$0x0]  }
0x2: {  	s0 =	rddreg [dreg:$0x1]  }
0x3: {  	s3 =	rddreg [dreg:$0x2]  }
0x4: {  	s2 =	srdreg.scid;
	s5 =	stileid.u32;
	s4 =	simm.s32 $0x0  }
0x5: {  	s17 =	simm.s32 $0x80;
	s29 =	simm.s32 $0x1;
	s30 =	simm.s32 $0x2  }
0x6: {  	s31 =	simm.s32 $0x3;
	s18 =	simm.s32 $0x6;
	s22 =	simm.s32 $0x7  }
0x7: {  	s24 =	simm.s32 $0x8;
	s19 =	simm.s32 $0x0;
	s2 =	sand.u32 $0x1, s2  }
0x8: {  	s5 =	sshll.u32 s5, $0x8;
	[smem:$0x7FF] =	sst s4;
	s6 =	sshll.u32 s2, $0x7  }
0x9: {  	s2 =	ssub.s32 $0x2, s2;
	_ =	strace $0x80000047;
	s6 =	sor.u32 s6, s5  }
0xa: {  	s25 =	sshrl.u32 s2, $0x1;
	s7 =	sshrl.u32 s6, $0x3;
	s5 =	smul.u32 $0xC80, s6  }
0xb: {  	s6 =	smul.u32 $0x190, s6;
	s2 =	ssub.s32 s2, s25;
	s0 =	sadd.s32 s7, s0  }
0xc: {  	s28 =	smax.u32 s2, $0x1;
	s2 =	simm.s32 $0x5;
	s0 =	sadd.s32 $0x800, s0  }
0xd: {  	s7 =	sor.u32 $0x40, s5;
	s8 =	sor.u32 $0x80, s5;
	s26 =	sadd.s32 s6, s3  }
0xe: {  	s9 =	sor.u32 $0xC0, s5;
	s10 =	sor.u32 $0x100, s5;
	[dreg:$0x5] =	wrdreg s28  }
0xf: {  	s6 =	simm.s32 $0xA;
	[dreg:$0x4] =	wrdreg s0;
	s11 =	sadd.s32 $0x168, s26  }
0x10: {  	s12 =	sadd.s32 $0x170, s26;
	s13 =	sadd.s32 $0x178, s26;
	s14 =	sadd.s32 $0x180, s26  }
0x11: {  	s15 =	sadd.s32 $0x188, s26;
	s0 =	simm.s32 $0x4;
	s26 =	simm.s32 $0x9  }
.LBB2_1:
0x12: {  	[dreg:$0x6] =	wrdreg s19  }
0x13: {  	s16 =	rddreg [dreg:$0x4];
	s21 =	simm.s32 $0x1000;
	s23 =	simm.s32 $0xB  }
0x14: {  	[tilespmem:s4], [sflag:$0xB] =	stream.strided.gather [hbm4b:s16+s17], $0x1900, s21, s17, $0x38;
	[tilespmem:$0x15900] =	vst v63  }
0x15: {  	_ =	swait.ge [sflag:s23], $0x1900  }
0x16: {  	[sflag:s23] =	ssyncset.done $0x0  }
0x17: {  	s25 =	simm.s32 $0x1900;
	[sflag:s23] =	ssyncadd.s32 $0xFFFFE700  }
0x18: {  	[tilespmem:s25], [sflag:$0x1] =	stream.indirect.gather [hbm4b:s1+s17], $0x80, s4, s17, $0xb8;
	[tilespmem:$0x15900] =	vst v63  }
0x19: {  	s28 =	simm.s32 $0x5900  }
0x1a: {  	[tilespmem:s28], [sflag:$0x2] =	stream.indirect.gather [hbm4b:s1+s17], $0x80, s17, s17, $0xb8;
	[tilespmem:$0x15900] =	vst v63  }
0x1b: {  	s19 =	simm.s32 $0x100;
	s20 =	simm.s32 $0x9900  }
0x1c: {  	[tilespmem:s20], [sflag:$0x3] =	stream.indirect.gather [hbm4b:s1+s17], $0x80, s19, s17, $0xb8;
	[tilespmem:$0x15900] =	vst v63  }
0x1d: {  	s21 =	simm.s32 $0x180;
	s23 =	simm.s32 $0xD900  }
0x1e: {  	[tilespmem:s23], [sflag:$0x4] =	stream.indirect.gather [hbm4b:s1+s17], $0x80, s21, s17, $0xb8;
	[tilespmem:$0x15900] =	vst v63  }
0x1f: {  	s25 =	simm.s32 $0x200;
	s28 =	simm.s32 $0x11900;
	s19 =	simm.s32 $0x0  }
0x20: {  	[tilespmem:s28], [sflag:$0x5] =	stream.indirect.gather [hbm4b:s1+s17], $0x80, s25, s17, $0xb8;
	[tilespmem:$0x15900] =	vst v63  }
.LBB2_2:
0x21: {  	s16 =	smul.u32 $0x140, s19;
	_ =	sdelay $0x1  }
0x22: {  	s20 =	sor.u32 s5, s16  }
0x23: {  	_ =	swait.ge [sflag:s29], $0x4000;
	s21 =	simm.s32 $0x1900;
	s20 =	sshrl.u32 s20, $0x3  }
0x24: {  	s23 =	simm.s32 $0x190;
	[sflag:s29] =	ssyncset.done $0x0;
	s20 =	sadd.s32 s3, s20  }
0x25: {  	s25 =	simm.s32 $0x1980;
	[sflag:s29] =	ssyncadd.s32 $0xFFFFC000;
	s28 =	sadd.s32 $0x0, s20  }
.LBB2_3:
0x26: {  	[hbm4b:s28+s4] =	stream.linear.scatter [tilespmem:s21], [sflag:$0x6], $0x40, $0x38;
	[tilespmem:$0x15900] =	vst v63  }
0x27: {  	s28 =	smov.u32 s23;
	s21 =	smov.u32 s25;
	p0 =	sne.s32 s23, $0xC670  }
.Ltmp0:
0x28: {  	s23 =	sadd.s32 $0x190, s23;
	(pc) =	sbr.rel @p0 .LBB2_3-.Ltmp0, $2  }
0x29: {  	_ =	sdelay $0x2  }
0x2a: {  	s25 =	sadd.s32 $0x80, s25;
	s28 =	sadd.s32 s28, s20  }
0x2b: {  	[hbm4b:s28+s4] =	stream.linear.scatter [tilespmem:s21], [sflag:$0x6], $0x40, $0x38;
	[tilespmem:$0x15900] =	vst v63  }
0x2c: {  	s20 =	sadd.s32 s7, s16  }
0x2d: {  	s21 =	simm.s32 $0x5900;
	_ =	swait.ge [sflag:s30], $0x4000;
	s20 =	sshrl.u32 s20, $0x3  }
0x2e: {  	s23 =	simm.s32 $0x190;
	[sflag:s30] =	ssyncset.done $0x0;
	s20 =	sadd.s32 s3, s20  }
0x2f: {  	s25 =	simm.s32 $0x5980;
	[sflag:s30] =	ssyncadd.s32 $0xFFFFC000;
	s28 =	sadd.s32 $0x0, s20  }
.LBB2_5:
0x30: {  	[hbm4b:s28+s4] =	stream.linear.scatter [tilespmem:s21], [sflag:$0x7], $0x40, $0x38;
	[tilespmem:$0x15900] =	vst v63  }
0x31: {  	s28 =	smov.u32 s23;
	s21 =	smov.u32 s25;
	p0 =	sne.s32 s23, $0xC670  }
.Ltmp1:
0x32: {  	s23 =	sadd.s32 $0x190, s23;
	(pc) =	sbr.rel @p0 .LBB2_5-.Ltmp1, $2  }
0x33: {  	_ =	sdelay $0x2  }
0x34: {  	s25 =	sadd.s32 $0x80, s25;
	s28 =	sadd.s32 s28, s20  }
0x35: {  	[hbm4b:s28+s4] =	stream.linear.scatter [tilespmem:s21], [sflag:$0x7], $0x40, $0x38;
	[tilespmem:$0x15900] =	vst v63  }
0x36: {  	s20 =	sadd.s32 s8, s16  }
0x37: {  	s21 =	simm.s32 $0x9900;
	_ =	swait.ge [sflag:s31], $0x4000;
	s20 =	sshrl.u32 s20, $0x3  }
0x38: {  	s23 =	simm.s32 $0x190;
	[sflag:s31] =	ssyncset.done $0x0;
	s20 =	sadd.s32 s3, s20  }
0x39: {  	s25 =	simm.s32 $0x9980;
	[sflag:s31] =	ssyncadd.s32 $0xFFFFC000;
	s28 =	sadd.s32 $0x0, s20  }
.LBB2_7:
0x3a: {  	[hbm4b:s28+s4] =	stream.linear.scatter [tilespmem:s21], [sflag:$0x8], $0x40, $0x38;
	[tilespmem:$0x15900] =	vst v63  }
0x3b: {  	s28 =	smov.u32 s23;
	s21 =	smov.u32 s25;
	p0 =	sne.s32 s23, $0xC670  }
.Ltmp2:
0x3c: {  	s23 =	sadd.s32 $0x190, s23;
	(pc) =	sbr.rel @p0 .LBB2_7-.Ltmp2, $2  }
0x3d: {  	_ =	sdelay $0x2  }
0x3e: {  	s25 =	sadd.s32 $0x80, s25;
	s28 =	sadd.s32 s28, s20  }
0x3f: {  	[hbm4b:s28+s4] =	stream.linear.scatter [tilespmem:s21], [sflag:$0x8], $0x40, $0x38;
	[tilespmem:$0x15900] =	vst v63  }
0x40: {  	s20 =	sadd.s32 s9, s16  }
0x41: {  	s21 =	simm.s32 $0xD900;
	_ =	swait.ge [sflag:s0], $0x4000;
	s20 =	sshrl.u32 s20, $0x3  }
0x42: {  	s23 =	simm.s32 $0x190;
	[sflag:s0] =	ssyncset.done $0x0;
	s20 =	sadd.s32 s3, s20  }
0x43: {  	s25 =	simm.s32 $0xD980;
	[sflag:s0] =	ssyncadd.s32 $0xFFFFC000;
	s28 =	sadd.s32 $0x0, s20  }
.LBB2_9:
0x44: {  	[hbm4b:s28+s4] =	stream.linear.scatter [tilespmem:s21], [sflag:$0x9], $0x40, $0x38;
	[tilespmem:$0x15900] =	vst v63  }
0x45: {  	s28 =	smov.u32 s23;
	s21 =	smov.u32 s25;
	p0 =	sne.s32 s23, $0xC670  }
.Ltmp3:
0x46: {  	s23 =	sadd.s32 $0x190, s23;
	(pc) =	sbr.rel @p0 .LBB2_9-.Ltmp3, $2  }
0x47: {  	_ =	sdelay $0x2  }
0x48: {  	s25 =	sadd.s32 $0x80, s25;
	s28 =	sadd.s32 s28, s20  }
0x49: {  	[hbm4b:s28+s4] =	stream.linear.scatter [tilespmem:s21], [sflag:$0x9], $0x40, $0x38;
	[tilespmem:$0x15900] =	vst v63  }
0x4a: {  	s16 =	sadd.s32 s10, s16  }
0x4b: {  	s20 =	simm.s32 $0x11900;
	_ =	swait.ge [sflag:s2], $0x4000;
	s16 =	sshrl.u32 s16, $0x3  }
0x4c: {  	s21 =	simm.s32 $0x190;
	[sflag:s2] =	ssyncset.done $0x0;
	s16 =	sadd.s32 s3, s16  }
0x4d: {  	s23 =	simm.s32 $0x11980;
	[sflag:s2] =	ssyncadd.s32 $0xFFFFC000;
	s25 =	sadd.s32 $0x0, s16  }
.LBB2_11:
0x4e: {  	[hbm4b:s25+s4] =	stream.linear.scatter [tilespmem:s20], [sflag:$0xA], $0x40, $0x38;
	[tilespmem:$0x15900] =	vst v63  }
0x4f: {  	s25 =	smov.u32 s21;
	s20 =	smov.u32 s23;
	p0 =	sne.s32 s21, $0xC670  }
.Ltmp4:
0x50: {  	s21 =	sadd.s32 $0x190, s21;
	(pc) =	sbr.rel @p0 .LBB2_11-.Ltmp4, $2  }
0x51: {  	_ =	sdelay $0x2  }
0x52: {  	s23 =	sadd.s32 $0x80, s23;
	s25 =	sadd.s32 s25, s16  }
0x53: {  	[hbm4b:s25+s4] =	stream.linear.scatter [tilespmem:s20], [sflag:$0xA], $0x40, $0x38;
	[tilespmem:$0x15900] =	vst v63  }
0x54: {  	s16 =	smul.u32 $0xA00, s19  }
0x55: {  	_ =	swait.ge [sflag:s18], $0x2000  }
0x56: {  	[sflag:s18] =	ssyncset.done $0x0;
	s16 =	sshra.s32 s16, $0x2  }
0x57: {  	s21 =	simm.s32 $0x1900;
	[sflag:s18] =	ssyncadd.s32 $0xFFFFE000;
	s28 =	sadd.s32 $0x280, s16  }
0x58: {  	[tilespmem:s21], [sflag:$0x1] =	stream.indirect.gather [hbm4b:s1+s17], $0x80, s28, s17, $0xb8;
	[tilespmem:$0x15900] =	vst v63  }
0x59: {  	_ =	swait.ge [sflag:s22], $0x2000  }
0x5a: {  	[sflag:s22] =	ssyncset.done $0x0  }
0x5b: {  	s23 =	simm.s32 $0x5900;
	s21 =	sadd.s32 $0x300, s16;
	[sflag:s22] =	ssyncadd.s32 $0xFFFFE000  }
0x5c: {  	[tilespmem:s23], [sflag:$0x2] =	stream.indirect.gather [hbm4b:s1+s17], $0x80, s21, s17, $0xb8;
	[tilespmem:$0x15900] =	vst v63  }
0x5d: {  	_ =	swait.ge [sflag:s24], $0x2000  }
0x5e: {  	[sflag:s24] =	ssyncset.done $0x0  }
0x5f: {  	s25 =	sadd.s32 $0x380, s16;
	s28 =	simm.s32 $0x9900;
	[sflag:s24] =	ssyncadd.s32 $0xFFFFE000  }
0x60: {  	[tilespmem:s28], [sflag:$0x3] =	stream.indirect.gather [hbm4b:s1+s17], $0x80, s25, s17, $0xb8;
	[tilespmem:$0x15900] =	vst v63  }
0x61: {  	s19 =	sadd.s32 $0x1, s19;
	_ =	swait.ge [sflag:s26], $0x2000  }
0x62: {  	p0 =	sne.s32 s19, $0x9;
	[sflag:s26] =	ssyncset.done $0x0  }
0x63: {  	s23 =	sadd.s32 $0x400, s16;
	s25 =	simm.s32 $0xD900;
	[sflag:s26] =	ssyncadd.s32 $0xFFFFE000  }
0x64: {  	[tilespmem:s25], [sflag:$0x4] =	stream.indirect.gather [hbm4b:s1+s17], $0x80, s23, s17, $0xb8;
	[tilespmem:$0x15900] =	vst v63  }
.Ltmp5:
0x65: {  	_ = 	snop;
	(pc) =	sbr.rel @p0 .LBB2_2-.Ltmp5, $4  }
0x66: {  	_ =	swait.ge [sflag:s6], $0x2000  }
0x67: {  	[sflag:s6] =	ssyncset.done $0x0  }
0x68: {  	s16 =	sadd.s32 $0x480, s16;
	s28 =	simm.s32 $0x11900;
	[sflag:s6] =	ssyncadd.s32 $0xFFFFE000  }
0x69: {  	[tilespmem:s28], [sflag:$0x5] =	stream.indirect.gather [hbm4b:s1+s17], $0x80, s16, s17, $0xb8;
	[tilespmem:$0x15900] =	vst v63  }
0x6a: {  	_ =	swait.ge [sflag:s29], $0x4000  }
0x6b: {  	s16 =	simm.s32 $0x1900;
	s19 =	simm.s32 $0x190;
	[sflag:s29] =	ssyncset.done $0x0  }
0x6c: {  	s21 =	sadd.s32 $0x0, s11;
	s20 =	simm.s32 $0x1980;
	[sflag:s29] =	ssyncadd.s32 $0xFFFFC000  }
.LBB2_14:
0x6d: {  	[hbm4b:s21+s4] =	stream.linear.scatter [tilespmem:s16], [sflag:$0x6], $0x40, $0x38;
	[tilespmem:$0x15900] =	vst v63  }
0x6e: {  	s21 =	smov.u32 s19;
	s16 =	smov.u32 s20;
	p0 =	sne.s32 s19, $0xC670  }
.Ltmp6:
0x6f: {  	s19 =	sadd.s32 $0x190, s19;
	(pc) =	sbr.rel @p0 .LBB2_14-.Ltmp6, $2  }
0x70: {  	_ =	sdelay $0x2  }
0x71: {  	s20 =	sadd.s32 $0x80, s20;
	s21 =	sadd.s32 s21, s11  }
0x72: {  	[hbm4b:s21+s4] =	stream.linear.scatter [tilespmem:s16], [sflag:$0x6], $0x40, $0x38;
	[tilespmem:$0x15900] =	vst v63  }
0x73: {  	_ =	swait.ge [sflag:s30], $0x4000  }
0x74: {  	s16 =	simm.s32 $0x5900;
	s19 =	simm.s32 $0x190;
	[sflag:s30] =	ssyncset.done $0x0  }
0x75: {  	s21 =	sadd.s32 $0x0, s12;
	s20 =	simm.s32 $0x5980;
	[sflag:s30] =	ssyncadd.s32 $0xFFFFC000  }
.LBB2_16:
0x76: {  	[hbm4b:s21+s4] =	stream.linear.scatter [tilespmem:s16], [sflag:$0x7], $0x40, $0x38;
	[tilespmem:$0x15900] =	vst v63  }
0x77: {  	s21 =	smov.u32 s19;
	s16 =	smov.u32 s20;
	p0 =	sne.s32 s19, $0xC670  }
.Ltmp7:
0x78: {  	s19 =	sadd.s32 $0x190, s19;
	(pc) =	sbr.rel @p0 .LBB2_16-.Ltmp7, $2  }
0x79: {  	_ =	sdelay $0x2  }
0x7a: {  	s20 =	sadd.s32 $0x80, s20;
	s21 =	sadd.s32 s21, s12  }
0x7b: {  	[hbm4b:s21+s4] =	stream.linear.scatter [tilespmem:s16], [sflag:$0x7], $0x40, $0x38;
	[tilespmem:$0x15900] =	vst v63  }
0x7c: {  	_ =	swait.ge [sflag:s31], $0x4000  }
0x7d: {  	s16 =	simm.s32 $0x9900;
	s19 =	simm.s32 $0x190;
	[sflag:s31] =	ssyncset.done $0x0  }
0x7e: {  	s21 =	sadd.s32 $0x0, s13;
	s20 =	simm.s32 $0x9980;
	[sflag:s31] =	ssyncadd.s32 $0xFFFFC000  }
.LBB2_18:
0x7f: {  	[hbm4b:s21+s4] =	stream.linear.scatter [tilespmem:s16], [sflag:$0x8], $0x40, $0x38;
	[tilespmem:$0x15900] =	vst v63  }
0x80: {  	s21 =	smov.u32 s19;
	s16 =	smov.u32 s20;
	p0 =	sne.s32 s19, $0xC670  }
.Ltmp8:
0x81: {  	s19 =	sadd.s32 $0x190, s19;
	(pc) =	sbr.rel @p0 .LBB2_18-.Ltmp8, $2  }
0x82: {  	_ =	sdelay $0x2  }
0x83: {  	s20 =	sadd.s32 $0x80, s20;
	s21 =	sadd.s32 s21, s13  }
0x84: {  	[hbm4b:s21+s4] =	stream.linear.scatter [tilespmem:s16], [sflag:$0x8], $0x40, $0x38;
	[tilespmem:$0x15900] =	vst v63  }
0x85: {  	_ =	swait.ge [sflag:s0], $0x4000  }
0x86: {  	s16 =	simm.s32 $0xD900;
	s19 =	simm.s32 $0x190;
	[sflag:s0] =	ssyncset.done $0x0  }
0x87: {  	s21 =	sadd.s32 $0x0, s14;
	s20 =	simm.s32 $0xD980;
	[sflag:s0] =	ssyncadd.s32 $0xFFFFC000  }
.LBB2_20:
0x88: {  	[hbm4b:s21+s4] =	stream.linear.scatter [tilespmem:s16], [sflag:$0x9], $0x40, $0x38;
	[tilespmem:$0x15900] =	vst v63  }
0x89: {  	s21 =	smov.u32 s19;
	s16 =	smov.u32 s20;
	p0 =	sne.s32 s19, $0xC670  }
.Ltmp9:
0x8a: {  	s19 =	sadd.s32 $0x190, s19;
	(pc) =	sbr.rel @p0 .LBB2_20-.Ltmp9, $2  }
0x8b: {  	_ =	sdelay $0x2  }
0x8c: {  	s20 =	sadd.s32 $0x80, s20;
	s21 =	sadd.s32 s21, s14  }
0x8d: {  	[hbm4b:s21+s4] =	stream.linear.scatter [tilespmem:s16], [sflag:$0x9], $0x40, $0x38;
	[tilespmem:$0x15900] =	vst v63  }
0x8e: {  	_ =	swait.ge [sflag:s2], $0x4000  }
0x8f: {  	s16 =	simm.s32 $0x11900;
	s19 =	simm.s32 $0x190;
	[sflag:s2] =	ssyncset.done $0x0  }
0x90: {  	s21 =	sadd.s32 $0x0, s15;
	s20 =	simm.s32 $0x11980;
	[sflag:s2] =	ssyncadd.s32 $0xFFFFC000  }
.LBB2_22:
0x91: {  	[hbm4b:s21+s4] =	stream.linear.scatter [tilespmem:s16], [sflag:$0xA], $0x40, $0x38;
	[tilespmem:$0x15900] =	vst v63  }
0x92: {  	s21 =	smov.u32 s19;
	s16 =	smov.u32 s20;
	p0 =	sne.s32 s19, $0xC670  }
.Ltmp10:
0x93: {  	s19 =	sadd.s32 $0x190, s19;
	(pc) =	sbr.rel @p0 .LBB2_22-.Ltmp10, $2  }
0x94: {  	_ =	sdelay $0x2  }
0x95: {  	s20 =	sadd.s32 $0x80, s20;
	s21 =	sadd.s32 s21, s15  }
0x96: {  	[hbm4b:s21+s4] =	stream.linear.scatter [tilespmem:s16], [sflag:$0xA], $0x40, $0x38;
	[tilespmem:$0x15900] =	vst v63  }
0x97: {  	_ =	swait.ge [sflag:s18], $0x2000  }
0x98: {  	[sflag:s18] =	ssyncset.done $0x0  }
0x99: {  	[sflag:s18] =	ssyncadd.s32 $0xFFFFE000  }
0x9a: {  	_ =	swait.ge [sflag:s22], $0x2000  }
0x9b: {  	[sflag:s22] =	ssyncset.done $0x0  }
0x9c: {  	[sflag:s22] =	ssyncadd.s32 $0xFFFFE000  }
0x9d: {  	_ =	swait.ge [sflag:s24], $0x2000  }
0x9e: {  	[sflag:s24] =	ssyncset.done $0x0  }
0x9f: {  	[sflag:s24] =	ssyncadd.s32 $0xFFFFE000  }
0xa0: {  	_ =	swait.ge [sflag:s26], $0x2000  }
0xa1: {  	[sflag:s26] =	ssyncset.done $0x0  }
0xa2: {  	[sflag:s26] =	ssyncadd.s32 $0xFFFFE000  }
0xa3: {  	_ =	swait.ge [sflag:s6], $0x2000  }
0xa4: {  	s19 =	rddreg [dreg:$0x6]  }
0xa5: {  	s28 =	rddreg [dreg:$0x5];
	s19 =	sadd.s32 $0x1, s19  }
0xa6: {  	p0 =	sne.s32 s19, s28  }
.Ltmp11:
0xa7: {  	_ = 	snop;
	(pc) =	sbr.rel @p0 .LBB2_1-.Ltmp11, $3  }
0xa8: {  	_ =	sdelay $0x1  }
0xa9: {  	[sflag:s6] =	ssyncset.done $0x0  }
0xaa: {  	[sflag:s6] =	ssyncadd.s32 $0xFFFFE000  }
0xab: {  	_ =	sfence.sel $0x180000  }
0xac: {  	[bflag:$0x0] =	sbarrier.arrive $0xFFFF  }
0xad: {  	_ =	strace $0x90000047  }
0xae: {  	s0 =	stileid.u32;
	[bflag:$0x2] =	sbarrier.arrive $0xFFFF  }
0xaf: {  	p0 =	sne.s32 s0, $0x0;
	s0 =	rddreg [dreg:$0x3]  }
0xb0: {  	s0 =	sadd.s32 @!p0 $0x100000, s0  }
0xb1: {  	[sflag:s0] =	ssyncadd.tile.s32 @!p0 $0x1;
	_ =	shalt  }
.Lfunc_end2:
_tile_overlayer_lowered:
.L_overlay_start_2:
0xb2: {  	(tag) =	ssettag $0x2  }
0xb3: {  	s0 =	rddreg [dreg:$0x0];
	s2 =	stileid.u32  }
0xb4: {  	s1 =	rddreg [dreg:$0x1];
	p0 =	sne.s32 s2, $0x0  }
0xb5: {  	s3 =	rddreg [dreg:$0x2];
	[bflag:$0x3] =	sbarrier.arrive $0xFFFF;
	s2 =	simm.s32 @!p0 $0x1C0B  }
0xb6: {  	[timem:s3], [sflag:s2] =	dma.local @!p0 [hbm:s0], s1  }
0xb7: {  	s0 =	simm.s32 @!p0 $0xB  }
0xb8: {  	_ =	swait.ge @!p0 [sflag:s0], s1  }
0xb9: {  	s1 =	ssub.s32 @!p0 $0x0, s1;
	[sflag:s0] =	ssyncset.done @!p0 $0x0  }
0xba: {  	[sflag:s0] =	ssyncadd.s32 @!p0 s1  }
0xbb: {  	[bflag:$0x3] =	sbarrier.arrive $0xFFFF  }
0xbc: {  	_ =	shalt  }

// kernel: sparse-core-data-format-call.cloned.1.call-start
scs
called_computation_lowered:
.L_overlay_start_0:
0x0: {  	s2 =	sld [smem:$0x3FD9]  }
0x1: {  	s3 =	sld [smem:$0x3FFE];
	_ =	sdelay $0x1  }
0x2: {  	s1 =	srdreg.scid  }
0x3: {  	s0 =	sand.u32 $0x1, s1  }
0x4: {  	s18 =	sshll.u32 s0, $0xA;
	s2 =	sadd.s32 s3, s2  }
0x5: {  	s2 =	sadd.s32 s2, s18  }
0x6: {  	[smem:$0x3FC6] =	sst s2  }
0x7: {  	_ = 	snop  }
0x8: {  	s2 =	sld [smem:$0x3FD0];
	(tm) =	ssettm $0x1  }
0x9: {  	s19 =	sld [smem:$0x3FFB];
	_ =	sdelay $0x3  }
0xa: {  	_ =	strace s19  }
0xb: {  	s3 =	sld [smem:$0x3FFC];
	_ =	sdelay $0x3  }
0xc: {  	_ =	strace s3  }
0xd: {  	s3 =	sld [smem:$0x3FFD];
	_ =	sdelay $0x3  }
0xe: {  	_ =	strace s3  }
0xf: {  	_ =	strace $0x8FFFFFFF  }
0x10: {  	s20 =	sld [smem:$0x3FDB];
	_ =	sdelay $0x1  }
0x11: {  	s4 =	simm.s32 $_scs_section_size  }
0x12: {  	s5 =	simm.s32 $_size__tile_overlayer_lowered;
	s6 =	simm.s32 $_tile_overlayer_lowered  }
0x13: {  	s23 =	simm.s32 $0x1BFF;
	s22 =	sshll.u32 s6, $0x1;
	s3 =	sadd.s32 s4, s20  }
0x14: {  	s7 =	simm.s32 $0x0;
	s21 =	sshll.u32 s5, $0x1;
	s5 =	sadd.s32 s22, s3  }
0x15: {  	[timem:s7], [sflag:s23] =	dma.local [hbm:s5], s21  }
0x16: {  	_ =	swait.ge [sflag:s23], s21  }
0x17: {  	s4 =	ssub.s32 $0x0, s21;
	[sflag:s23] =	ssyncset.done $0x0  }
0x18: {  	[sflag:s23] =	ssyncadd.s32 s4;
	_ =	sdelay $0x1  }
0x19: {  	s24 =	simm.s32 $0x1B8B  }
0x1a: {  	_ =	swait.ge [sflag:s24], $0x1  }
0x1b: {  	[sflag:s24] =	ssyncset.done $0x0  }
0x1c: {  	s26 =	simm.s32 $0x1B8E;
	s25 =	sld [smem:$0x3FFE];
	[sflag:s24] =	ssyncadd.s32 $0xFFFFFFFF  }
0x1d: {  	s27 =	simm.s32 $execute0_lowered;
	[smem:$0x3FD2] =	sst s26  }
0x1e: {  	s5 =	sshll.u32 s27, $0x1;
	_ =	strace $0x80000049;
	[dreg:$0x1] =	wrdreg $0xFFFFFFFF  }
0x1f: {  	s28 =	simm.s32 $_size_execute0_lowered;
	s3 =	sadd.s32 s3, s5;
	[dreg:$0x0] =	wrdreg $0x0  }
0x20: {  	s5 =	sshll.u32 s28, $0x1;
	[dreg:$0x2] =	wrdreg s3  }
0x21: {  	[dreg:$0x3] =	wrdreg s5  }
0x22: {  	[dreg:$0x4] =	wrdreg $0xC0  }
0x23: {  	_ =	task [dreg:s7], $0x5FFFF  }
0x24: {  	[dreg:$0x1] =	wrdreg $0xFFFFFFFF  }
0x25: {  	[dreg:$0x0] =	wrdreg $0x60  }
0x26: {  	[dreg:$0x2] =	wrdreg s25  }
0x27: {  	[dreg:$0x3] =	wrdreg s2  }
0x28: {  	[dreg:$0x4] =	wrdreg $0x9  }
0x29: {  	_ =	task.clear_ibuf [dreg:s7], $0x5FFFF;
	_ =	strace $0x90000049  }
0x2a: {  	s29 =	simm.s32 $0x9;
	_ =	strace $0x8000004B  }
0x2b: {  	_ =	swait.ge [sflag:s29], $0x1  }
0x2c: {  	[sflag:s29] =	ssyncadd.s32 $0xFFFFFFFF  }
0x2d: {  	_ =	strace $0x9000004B  }
0x2e: {  	_ =	sfence  }
0x2f: {  	s30 =	sld [smem:$0x0];
	_ =	sdelay $0x2  }
0x30: {  	s31 =	sshll.u32 s1, $0xD;
	s1 =	sshrl.u32 s1, $0x2  }
0x31: {  	s3 =	sand.u32 $0x4000, s31;
	s1 =	sadd.s32 s1, s30  }
0x32: {  	s0 =	sor.u32 s3, s0;
	s1 =	sshll.u32 s1, $0x11  }
0x33: {  	s0 =	sor.u32 s1, s0  }
0x34: {  	s0 =	sadd.s32 $0x8F2B, s0  }
0x35: {  	[sflag:s0] =	ssyncadd.remote.s32 $0x1  }
0x36: {  	_ =	sfence.sel $0xFFFF  }
0x37: {  	[dreg:$0x0] =	wrdreg $0xFFFFFFFF;
	(pc) =	sbr.abs _section_cstart, $3  }
0x38: {  	[dreg:$0x1] =	wrdreg $0xFFFFFFFF  }
0x39: {  	_ =	task.clear_ibuf [dreg:s7], $0x2FFFF;
	_ =	strace $0x9FFFFFFF  }
0x3a: {  	(tm) =	ssettm $0x7FFFFFFF  }
0x3b: {  	_ =	shalt  }
tec
execute0_lowered:
.L_overlay_start_1:
0x0: {  	(tag) =	ssettag $0x1  }
0x1: {  	s0 =	srdreg.scid  }
0x2: {  	s1 =	sshll.u32 s0, $0x4  }
0x3: {  	s0 =	stileid.u32;
	s1 =	sand.u32 $0x10, s1  }
0x4: {  	s1 =	sor.u32 s0, s1  }
0x5: {  	s6 =	rddreg [dreg:$0x0];
	s4 =	simm.s32 $0x1;
	s2 =	sshll.u32 s1, $0x7  }
0x6: {  	s7 =	simm.s32 $0x2;
	s12 =	simm.s32 $0x0;
	s1 =	ssub.s32 $0x1000, s2  }
0x7: {  	s8 =	simm.s32 $0x8000;
	s13 =	simm.s32 $0x0;
	s3 =	sand.u32 $0xF80, s1  }
0x8: {  	s9 =	simm.s32 $0x0;
	s5 =	sshrl.u32 s1, $0xC;
	p0 =	sne.s32 s3, $0x0  }
.Ltmp0:
0x9: {  	s1 =	rddreg [dreg:$0x2];
	s4 =	simm.s32 @!p0 $0x0;
	(pc) =	sbr.rel .LBB1_1-.Ltmp0, $4  }
0xa: {  	s11 =	simm.s32 $0x0;
	s3 =	rddreg [dreg:$0x1];
	s5 =	sadd.s32 s4, s5  }
0xb: {  	_ =	strace $0x8000004A;
	s4 =	simm.s32 $0x1;
	s5 =	smul.u32 $0x32, s5  }
0xc: {  	s6 =	sadd.s32 $0x800, s6;
	s10 =	smov.u32 s2;
	[sflag:s4] =	ssyncpa.u1 $0x0  }
0xd: {  	p0 =	por $0x0, $0x0;
	[sflag:s7] =	ssyncpa.u1 $0x0;
	s7 =	sor.u32 $0x1, s5  }
.LBB1_4:
0xe: {  	s16 =	sshll.u32 s13, $0x3;
	s17 =	sand.u32 $0x78, s13  }
0xf: {  	s30 =	sand.u32 $0x7E00, s13;
	s12 =	sshll.u32 s12, $0xF;
	s16 =	sand.u32 $0xC00, s16  }
0x10: {  	[tilespmem:s15+$0x810 ss:$0x81] =	vst.msk $0xffff, v2;
	s31 =	sand.u32 $0x7, s13;
	s16 =	sor.u32 s17, s16;
	s17 =	sadd.s32 s3, s30  }
0x11: {  	[tilespmem:s15+$0x1020 ss:$0x81] =	vst.msk $0xffff, v0;
	s13 =	sshll.u32 s31, $0x12;
	s12 =	sadd.s32 s12, s17;
	s16 =	sshrl.u32 s16, $0x3  }
0x12: {  	[tilespmem:s15+$0x0 ss:$0x81] =	vst.msk $0xffff, v1;
	s13 =	sor.u32 $0x400, s13;
	s12 =	sadd.s32 s16, s12  }
0x13: {  	[hbm4b:s12+s13] =	stream.strided.scatter [tilespmem:s14], [sflag:$0x2], $0x2000, s8, s13, $0x20;
	[tilespmem:$0x8080] =	vst v63  }
.LBB1_5:
0x14: {  	s14 =	sadd.s32 $0x1, s9  }
0x15: {  	s12 =	sadd.s32 $0x1000, s10;
	s16 =	smov.u32 s10;
	p2 =	sgt.s32 s14, $0x31  }
0x16: {  	s16 =	smov.u32 @p2 s12  }
0x17: {  	s14 =	simm.s32 @p2 $0x0;
	p2 =	sgt.s32 s16, $0xFFF  }
0x18: {  	s16 =	smov.u32 @p2 s2;
	p2 =	sne.s32 s11, s7  }
.Ltmp1:
0x19: {  	p1 =	slt.u32 s11, $0x2;
	(pc) =	sbr.rel @!p2 .LBB1_6-.Ltmp1, $4  }
0x1a: {  	s15 =	simm.s32 @!p1 $0x2  }
0x1b: {  	s13 =	smov.u32 s10;
	p0 =	por !p0, !p0;
	_ =	swait.ge @!p1 [sflag:s15], $0x2000  }
0x1c: {  	s12 =	smov.u32 s9;
	[sflag:s15] =	ssyncset.done @!p1 $0x0;
	s9 =	smov.u32 s14  }
0x1d: {  	s11 =	sadd.s32 $0x1, s11;
	[sflag:s15] =	ssyncadd.s32 @!p1 $0xFFFFE000;
	s10 =	smov.u32 s16  }
.LBB1_1:
0x1e: {  	p1 =	sge.u32 s11, s5  }
0x1f: {  	s14 =	sand.u32 @!p1 $0x1FFFFFF, s9  }
0x20: {  	s15 =	smulhi.u32 @!p1 $0x4924925, s14;
	_ =	sdelay $0x1  }
0x21: {  	s15 =	smul.u32 @!p1 $0x38, s15  }
0x22: {  	s16 =	sxor.u32 @!p1 $0xFFFFFFFF, s11;
	s17 =	smul.u32 @!p1 $0x380, s10  }
0x23: {  	s31 =	sadd.s32 $0xFFFFFFFF, s11;
	s16 =	sshll.u32 @!p1 s16, $0xD;
	s14 =	ssub.s32 @!p1 s14, s15  }
0x24: {  	s15 =	sand.u32 @!p1 $0x2000, s16;
	s16 =	sadd.s32 @!p1 s6, s17;
	s14 =	sshll.u32 @!p1 s14, $0x4  }
0x25: {  	s17 =	simm.s32 @!p1 $0x1C00;
	s14 =	sadd.s32 @!p1 s14, s16;
	s16 =	simm.s32 @!p1 $0x40  }
0x26: {  	[tilespmem:s15], [sflag:$0x1] =	stream.strided.gather @!p1 [hbm4b:s14+s16], $0x2000, s17, s16, $0x38;
	[tilespmem:$0x8080] =	vst v63  }
0x27: {  	p1 =	sge.u32 s31, s5  }
.Ltmp2:
0x28: {  	_ = 	snop;
	(pc) =	sbr.rel @p1 .LBB1_5-.Ltmp2, $1  }
0x29: {  	_ =	sdelay $0x3  }
0x2a: {  	s14 =	simm.s32 $0x1  }
0x2b: {  	_ =	swait.ge [sflag:s4], $0x2000;
	s14 =	simm.s32 @!p0 $0x0  }
0x2c: {  	[sflag:s4] =	ssyncset.done $0x0;
	s15 =	sshll.u32 s14, $0xD  }
0x2d: {  	[sflag:s4] =	ssyncadd.s32 $0xFFFFE000;
	s18 =	sor.u32 $0x20, s15  }
0x2e: {  	s14 =	smul.u32 $0x8100, s14;
	v3 =	vld [tilespmem:s18+$0x10]  }
0x2f: {  	s30 =	sand.u32 $0x1, s11;
	v2 =	vld [tilespmem:s18+$0xFFFFFFF0]  }
0x30: {  	s15 =	smul.u32 $0x8100, s30;
	s14 =	sshrl.u32 s14, $0x2;
	v0 =	vld [tilespmem:s18+$0x0]  }
0x31: {  	v1 =	vld [tilespmem:s18+$0xFFFFFFE0];
	s16 =	sor.u32 $0x4000, s14  }
0x32: {  	s31 =	sshrl.u32 s15, $0x2;
	s15 =	sadd.s32 $0x0, s16  }
0x33: {  	s17 =	simm.s32 $0x4;
	s18 =	sadd.s32 $0x40, s18;
	s14 =	sor.u32 $0x4000, s31;
	[tilespmem:s15+$0x1830 ss:$0x81] =	vst.msk $0xffff, v3  }
.LBB1_3:
0x34: {  	v3 =	vld [tilespmem:s18+$0x10];
	p1 =	sne.s32 s17, $0x1FC;
	[tilespmem:s15+$0x810 ss:$0x81] =	vst.msk $0xffff, v2;
	s19 =	smov.u32 s17;
	s17 =	sadd.s32 $0x4, s17  }
.Ltmp3:
0x35: {  	v2 =	vld [tilespmem:s18+$0xFFFFFFF0];
	[tilespmem:s15+$0x1020 ss:$0x81] =	vst.msk $0xffff, v0;
	(pc) =	sbr.rel @p1 .LBB1_3-.Ltmp3, $4  }
0x36: {  	v0 =	vld [tilespmem:s18+$0x0];
	[tilespmem:s15+$0x0 ss:$0x81] =	vst.msk $0xffff, v1  }
0x37: {  	s15 =	sshra.s32 s19, $0x2;
	v1 =	vld [tilespmem:s18+$0xFFFFFFE0]  }
0x38: {  	s15 =	sadd.s32 s15, s16  }
0x39: {  	s18 =	sadd.s32 $0x40, s18;
	[tilespmem:s15+$0x1830 ss:$0x81] =	vst.msk $0xffff, v3  }
.Ltmp4:
0x3a: {  	_ = 	snop;
	(pc) =	sbr.rel .LBB1_4-.Ltmp4, $1  }
0x3b: {  	_ =	sdelay $0x3  }
.LBB1_6:
0x3c: {  	_ =	sfence.sel $0x180000  }
0x3d: {  	s2 =	simm.s32 $0x1;
	[bflag:$0x0] =	sbarrier.arrive $0xFFFF  }
0x3e: {  	s31 =	simm.s32 $0x2;
	[sflag:s2] =	ssyncpa.u1 $0x1  }
0x3f: {  	[sflag:s31] =	ssyncpa.u1 $0x1  }
0x40: {  	p0 =	sne.s32 s0, $0x0;
	_ =	strace $0x9000004A  }
0x41: {  	s0 =	sadd.s32 @!p0 $0x100000, s1;
	[bflag:$0x2] =	sbarrier.arrive $0xFFFF  }
0x42: {  	[sflag:s0] =	ssyncadd.tile.s32 @!p0 $0x1;
	_ =	shalt  }
.Lfunc_end1:
_tile_overlayer_lowered:
.L_overlay_start_2:
0x43: {  	(tag) =	ssettag $0x2  }
0x44: {  	s0 =	rddreg [dreg:$0x0];
	s2 =	stileid.u32  }
0x45: {  	s1 =	rddreg [dreg:$0x1];
	p0 =	sne.s32 s2, $0x0  }
0x46: {  	s3 =	rddreg [dreg:$0x2];
	[bflag:$0x3] =	sbarrier.arrive $0xFFFF;
	s2 =	simm.s32 @!p0 $0x1C01  }
0x47: {  	[timem:s3], [sflag:s2] =	dma.local @!p0 [hbm:s0], s1  }
0x48: {  	s0 =	simm.s32 @!p0 $0x1  }
0x49: {  	_ =	swait.ge @!p0 [sflag:s0], s1  }
0x4a: {  	s1 =	ssub.s32 @!p0 $0x0, s1;
	[sflag:s0] =	ssyncset.done @!p0 $0x0  }
0x4b: {  	[sflag:s0] =	ssyncadd.s32 @!p0 s1  }
0x4c: {  	[bflag:$0x3] =	sbarrier.arrive $0xFFFF  }
0x4d: {  	_ =	shalt  }

</sc_bundles>
